<compile_context>
chip_gen: v7x
topology: tpu7x:2x2x1
jax: 0.10.2.dev20260603
libtpu: 0.0.44.dev20260713+nightly
codegen_flags: <defaults>
</compile_context>

<pallas_src>
import functools

import jax
import jax.numpy as jnp
from jax import lax
from jax.experimental import pallas as pl
from jax.experimental.pallas import tpu as pltpu
from jax.experimental.pallas import tpu_sc as plsc

_B = 1024
_NL = 50
_NS = 20
_D = 128
_H = 16
_SEG = 80
_SOFF = 56

_CH = 128


def _sc_gather(item_emb, user_emb, idx_item, idx_user):
    info = plsc.get_sparse_core_info()
    nw = info.num_cores * info.num_subcores
    tot = idx_item.shape[0]
    per_w = tot // nw
    sizes = []
    left = per_w
    while left > 0:
        sizes.append(min(_CH, left))
        left -= _CH
    chunk2 = [sizes[i:i + 2] for i in range(0, len(sizes), 2)]
    groups = []
    r = 0
    for cs in chunk2:
        groups.append((r, cs))
        r += sum(cs)
    n_grp = len(groups)
    buf_rows = max(sum(cs) for _, cs in groups)
    nbuf = 3
    nu = idx_user.shape[0]
    u_per_w = nu // nw
    mesh = plsc.VectorSubcoreMesh(core_axis_name="c", subcore_axis_name="s")

    @functools.partial(
        pl.kernel,
        mesh=mesh,
        out_type=(
            jax.ShapeDtypeStruct((tot, _D), jnp.float32),
            jax.ShapeDtypeStruct((nu, _D), jnp.float32),
        ),
        scratch_types=[
            pltpu.VMEM((per_w,), jnp.int32),
            pltpu.VMEM((buf_rows, _D), jnp.float32),
            pltpu.VMEM((buf_rows, _D), jnp.float32),
            pltpu.VMEM((buf_rows, _D), jnp.float32),
            pltpu.VMEM((u_per_w,), jnp.int32),
            pltpu.VMEM((u_per_w, _D), jnp.float32),
            pltpu.SemaphoreType.DMA,
            pltpu.SemaphoreType.DMA,
            pltpu.SemaphoreType.DMA,
            pltpu.SemaphoreType.DMA,
            pltpu.SemaphoreType.DMA,
            pltpu.SemaphoreType.DMA,
            pltpu.SemaphoreType.DMA,
            pltpu.SemaphoreType.DMA,
        ],
    )
    def gather_kernel(item_hbm, user_hbm, idxi_hbm, idxu_hbm, out_hbm, uout_hbm,
                      idx_v, buf0, buf1, buf2, uidx_v, urows_v,
                      sg0, sg1, sg2, sw0, sw1, sw2, su, si):
        wid = lax.axis_index("s") * info.num_cores + lax.axis_index("c")
        base = wid * per_w
        ubase = wid * u_per_w
        ci = pltpu.async_copy(idxi_hbm.at[pl.ds(wid * per_w, per_w)], idx_v, si)
        cu = pltpu.async_copy(idxu_hbm.at[pl.ds(ubase, u_per_w)], uidx_v, su)
        ci.wait()
        bufs = (buf0, buf1, buf2)
        sgs = (sg0, sg1, sg2)
        sws = (sw0, sw1, sw2)
        gths = [None] * nbuf
        writes = [None] * nbuf
        ug = None
        def drain(g):
            k = g % nbuf
            for cp in gths[k]:
                cp.wait()
            r0, cs = groups[g]
            nr = sum(cs)
            writes[k] = pltpu.async_copy(
                bufs[k].at[pl.ds(0, nr)],
                out_hbm.at[pl.ds(base + r0, nr)],
                sws[k])

        for g in range(n_grp):
            k = g % nbuf
            if writes[k] is not None:
                writes[k].wait()
                writes[k] = None
            r0, cs = groups[g]
            off = 0
            cps = []
            for c in cs:
                cps.append(pltpu.async_copy(
                    item_hbm.at[idx_v.at[pl.ds(r0 + off, c)]],
                    bufs[k].at[pl.ds(off, c)], sgs[k]))
                off += c
            gths[k] = cps
            if g == 0:
                cu.wait()
                ug = pltpu.async_copy(user_hbm.at[uidx_v], urows_v, su)
            if g >= nbuf - 1:
                drain(g - (nbuf - 1))
        for g in range(max(0, n_grp - (nbuf - 1)), n_grp):
            drain(g)
        for w in writes:
            if w is not None:
                w.wait()
        ug.wait()
        pltpu.async_copy(urows_v, uout_hbm.at[pl.ds(ubase, u_per_w)], su).wait()

    return gather_kernel(item_emb, user_emb, idx_item, idx_user)


def _tc_body(seg_ref, it_ref, u_ref, w1a_ref, w1b_ref, b1_ref, w2r_ref,
             out_ref, *, bb):
    dot = lambda x, y: jnp.dot(x, y, preferred_element_type=jnp.float32)
    u = u_ref[...]
    a = dot(u, w1a_ref[...]) + b1_ref[...]

    seg = seg_ref[...]
    c = dot(seg, w1b_ref[...])
    h = jnp.maximum(c.reshape(bb, _SEG, _D) + a[:, None, :], 0.0)
    sl = dot(h.reshape(bb * _SEG, _D), w2r_ref[...]).reshape(bb, _SEG, _D)
    e = jnp.exp(sl)
    seg3 = seg.reshape(bb, _SEG, _D)

    el = e[:, :_NL, :]
    den_l = jnp.sum(el, axis=1)
    u_long = jnp.sum(el * seg3[:, :_NL, :], axis=1) / den_l

    c0 = dot(u_long, w1b_ref[...])
    h0 = jnp.maximum(a + c0, 0.0)
    e0 = jnp.exp(dot(h0, w2r_ref[...]))
    es = e[:, _SOFF:_SOFF + _NS, :]
    den2 = e0 + jnp.sum(es, axis=1)
    hyb = (e0 * u_long + jnp.sum(es * seg3[:, _SOFF:_SOFF + _NS, :], axis=1)) / den2
    out_ref[...] = jnp.sum(hyb * it_ref[...], axis=-1, keepdims=True)


def _tc_compute(gathered, u_rows, w1a_p, w1b_p, b1p, w2rep, *, bb=256,
                interpret=False):
    nb = u_rows.shape[0]
    grid = (nb // bb,)
    seg_rows = bb * _SEG
    i_off = (nb * _SEG) // bb
    wspec = lambda shape: pl.BlockSpec(shape, lambda i: (0, 0))
    out2 = pl.pallas_call(
        functools.partial(_tc_body, bb=bb),
        grid=grid,
        in_specs=[
            pl.BlockSpec((seg_rows, _D), lambda i: (i, 0)),
            pl.BlockSpec((bb, _D), lambda i: (i_off + i, 0)),
            pl.BlockSpec((bb, _D), lambda i: (i, 0)),
            wspec((_D, _D)),
            wspec((_D, _D)),
            wspec((1, _D)),
            wspec((_D, _D)),
        ],
        out_specs=pl.BlockSpec((bb, 1), lambda i: (i, 0)),
        out_shape=jax.ShapeDtypeStruct((nb, 1), jnp.float32),
        interpret=interpret,
    )(gathered, gathered, u_rows, w1a_p, w1b_p, b1p, w2rep)
    return out2


def kernel(user_emb, item_emb, W1, b1, W2, b2, user_inputs, L_inputs,
           S_inputs, item_inputs):
    it32 = item_inputs.astype(jnp.int32)
    brange = jnp.arange(_B, dtype=jnp.int32)[:, None]
    spread = lambda n: (brange * 97 + jnp.arange(n, dtype=jnp.int32)[None, :] * 31) % 99991
    seg2d = jnp.concatenate(
        [L_inputs.astype(jnp.int32), spread(_SOFF - _NL),
         S_inputs.astype(jnp.int32), spread(_SEG - _SOFF - _NS)],
        axis=1)
    idx_user = user_inputs.astype(jnp.int32)

    w1a_p = jnp.zeros((_D, _D), jnp.float32).at[:, :_H].set(W1[:, :_D].T)
    w1b_p = jnp.zeros((_D, _D), jnp.float32).at[:, :_H].set(W1[:, _D:].T)
    b1p = jnp.zeros((1, _D), jnp.float32).at[0, :_H].set(b1)
    w2rep = jnp.zeros((_D, _D), jnp.float32).at[:_H, :].set(
        jnp.broadcast_to(W2.reshape(_H, 1), (_H, _D)))

    npad = 32 * ((_B * _SEG + _B) // 32 + 8) - _B * _SEG - _B
    pad_idx = (jnp.arange(npad, dtype=jnp.int32) * 53) % 99991
    idx_item = jnp.concatenate([seg2d.reshape(-1), it32, pad_idx])
    gathered, u_rows = _sc_gather(item_emb, user_emb, idx_item, idx_user)
    out2 = _tc_compute(gathered, u_rows, w1a_p, w1b_p, b1p, w2rep)
    return out2.reshape(_B, 1, 1)

# --- scband reference (transcript-rebuilt; emitter-appended) ---
"""Pipeline reference for scband-shan-32547262169525 (READ-ONLY COPY).

The authoritative reference and input builder live on the scoring server;
editing this copy changes nothing except your own understanding.
"""

import jax, jax.numpy as jnp
import numpy as np

NUM_USERS = 100000
NUM_ITEMS = 100000
EMB = 128
B = 1024
NL = 50
NS = 20

def setup_inputs(seed: int = 0) -> dict:
    key = jax.random.key(seed)
    ks = jax.random.split(key, 10)
    user_inputs = jax.random.randint(ks[0], (B,), 0, NUM_USERS)
    L_inputs = jax.random.randint(ks[1], (B, NL), 0, NUM_ITEMS)
    S_inputs = jax.random.randint(ks[2], (B, NS), 0, NUM_ITEMS)
    item_inputs = jax.random.randint(ks[3], (B,), 0, NUM_ITEMS)
    user_emb = jax.random.normal(ks[4], (NUM_USERS, EMB), dtype=jnp.float32) * 0.01
    item_emb = jax.random.normal(ks[5], (NUM_ITEMS, EMB), dtype=jnp.float32) * 0.01
    w_range = float(np.sqrt(3.0 / EMB))
    W1 = jax.random.uniform(ks[6], (16, 2 * EMB), dtype=jnp.float32, minval=-w_range, maxval=w_range)
    b1 = jnp.zeros((16,), dtype=jnp.float32)
    W2 = jax.random.uniform(ks[7], (1, 16), dtype=jnp.float32, minval=-w_range, maxval=w_range)
    b2 = jnp.zeros((1,), dtype=jnp.float32)
    return {"user_emb": user_emb, "item_emb": item_emb, "W1": W1, "b1": b1, "W2": W2, "b2": b2,
            "user_inputs": user_inputs, "L_inputs": L_inputs, "S_inputs": S_inputs, "item_inputs": item_inputs}

def _attn(x, W1, b1, W2, b2):
    # x: [B, T, 2*EMB] -> weights [B, T] (softmax over T, matching softmax over flattened per-user scores)
    h = jax.nn.relu(jnp.einsum('btd,kd->btk', x, W1) + b1)
    s = jnp.einsum('btk,ok->bto', h, W2) + b2  # [B, T, 1]
    return jax.nn.softmax(s[..., 0], axis=-1)

def reference(user_emb, item_emb, W1, b1, W2, b2, user_inputs, L_inputs, S_inputs, item_inputs):
    # All L/S entries are valid (no -1 padding) for these generated inputs.
    u_e = user_emb[user_inputs]            # [B, d]
    L_e = item_emb[L_inputs]               # [B, NL, d]
    S_e = item_emb[S_inputs]               # [B, NS, d]
    # long-term attention
    u_rep1 = jnp.broadcast_to(u_e[:, None, :], L_e.shape)
    x1 = jnp.concatenate([u_rep1, L_e], axis=-1)   # [B, NL, 2d]
    w1 = _attn(x1, W1, b1, W2, b2)                 # [B, NL]
    u_long = jnp.einsum('bl,bld->bd', w1, L_e)     # [B, d]
    # hybrid attention over [u_long; S]
    seq = jnp.concatenate([u_long[:, None, :], S_e], axis=1)  # [B, 1+NS, d]
    u_rep2 = jnp.broadcast_to(u_e[:, None, :], seq.shape)
    x2 = jnp.concatenate([u_rep2, seq], axis=-1)   # [B, 1+NS, 2d]
    w2 = _attn(x2, W1, b1, W2, b2)                 # [B, 1+NS]
    user_hybrid = jnp.einsum('bl,bld->bd', w2, seq)  # [B, d]
    it_e = item_emb[item_inputs]                   # [B, d]
    re = jnp.einsum('bd,bd->b', user_hybrid, it_e)[:, None, None]  # [B, 1, 1]
    return re

if __name__ == "__main__":
    import jax
    _d = setup_inputs()
    print(jax.jit(kernel)(*tuple(_d.values())))

</pallas_src>

<mosaic_0001>
#map = affine_map<(d0, d1) -> (0, 0)>
#map1 = affine_map<(d0, d1) -> (0)>
module attributes {stable_mosaic.version = 14 : i64} {
  func.func @gather_kernel(%arg0: i32, %arg1: i32, %arg2: memref<100000x128xf32, #tpu.memory_space<hbm>>, %arg3: memref<100000x128xf32, #tpu.memory_space<hbm>>, %arg4: memref<83200xi32, #tpu.memory_space<hbm>>, %arg5: memref<1024xi32, #tpu.memory_space<hbm>>, %arg6: memref<83200x128xf32, #tpu.memory_space<hbm>>, %arg7: memref<1024x128xf32, #tpu.memory_space<hbm>>, %arg8: memref<2600xi32, #tpu.memory_space<vmem>>, %arg9: memref<256x128xf32, #tpu.memory_space<vmem>>, %arg10: memref<256x128xf32, #tpu.memory_space<vmem>>, %arg11: memref<256x128xf32, #tpu.memory_space<vmem>>, %arg12: memref<32xi32, #tpu.memory_space<vmem>>, %arg13: memref<32x128xf32, #tpu.memory_space<vmem>>, %arg14: memref<!tpu.dma_semaphore, #tpu.memory_space<semaphore_mem>>, %arg15: memref<!tpu.dma_semaphore, #tpu.memory_space<semaphore_mem>>, %arg16: memref<!tpu.dma_semaphore, #tpu.memory_space<semaphore_mem>>, %arg17: memref<!tpu.dma_semaphore, #tpu.memory_space<semaphore_mem>>, %arg18: memref<!tpu.dma_semaphore, #tpu.memory_space<semaphore_mem>>, %arg19: memref<!tpu.dma_semaphore, #tpu.memory_space<semaphore_mem>>, %arg20: memref<!tpu.dma_semaphore, #tpu.memory_space<semaphore_mem>>, %arg21: memref<!tpu.dma_semaphore, #tpu.memory_space<semaphore_mem>>) attributes {dimension_semantics = [#tpu.dimension_semantics<core_parallel>, #tpu.dimension_semantics<subcore_parallel>], iteration_bounds = array<i64: 2, 16>, scalar_prefetch = 0 : i64, scratch_operands = 14 : i64, tpu.core_type = #tpu.core_type<sc_vector_subcore>, window_params = [{transform_indices = #map}, {transform_indices = #map}, {transform_indices = #map1}, {transform_indices = #map1}, {transform_indices = #map}, {transform_indices = #map}]} {
    %mul3A = arith.constant 2 : i32
    %mul3A_0 = arith.muli %arg1, %mul3A : i32
    %add3A = arith.addi %mul3A_0, %arg0 : i32
    %mul3A_1 = arith.constant 2600 : i32
    %mul3A_2 = arith.muli %add3A, %mul3A_1 : i32
    %mul3A_3 = arith.constant 32 : i32
    %mul3A_4 = arith.muli %add3A, %mul3A_3 : i32
    %mul3A_5 = arith.constant 2600 : i32
    %mul3A_6 = arith.muli %add3A, %mul3A_5 : i32
    %dma_start3A = tpu.memref_slice %arg4[%mul3A_6] : memref<83200xi32, #tpu.memory_space<hbm>> -> memref<2600xi32, #tpu.memory_space<hbm>>
    %dma_start3A_7 = tpu.memref_slice %arg4[%mul3A_6] : memref<83200xi32, #tpu.memory_space<hbm>> -> memref<2600xi32, #tpu.memory_space<hbm>>
    tpu.enqueue_dma source(%dma_start3A_7 : memref<2600xi32, #tpu.memory_space<hbm>>) target(%arg8 : memref<2600xi32, #tpu.memory_space<vmem>>) target_semaphore(%arg21 : memref<!tpu.dma_semaphore, #tpu.memory_space<semaphore_mem>>)
    %dma_start3A_8 = tpu.memref_slice %arg5[%mul3A_4] : memref<1024xi32, #tpu.memory_space<hbm>> -> memref<32xi32, #tpu.memory_space<hbm>>
    %dma_start3A_9 = tpu.memref_slice %arg5[%mul3A_4] : memref<1024xi32, #tpu.memory_space<hbm>> -> memref<32xi32, #tpu.memory_space<hbm>>
    tpu.enqueue_dma source(%dma_start3A_9 : memref<32xi32, #tpu.memory_space<hbm>>) target(%arg12 : memref<32xi32, #tpu.memory_space<vmem>>) target_semaphore(%arg20 : memref<!tpu.dma_semaphore, #tpu.memory_space<semaphore_mem>>)
    %dma_wait3A = tpu.memref_slice %arg4[%mul3A_6] : memref<83200xi32, #tpu.memory_space<hbm>> -> memref<2600xi32, #tpu.memory_space<hbm>>
    %dma_wait3A_10 = tpu.memref_slice %arg4[%mul3A_6] : memref<83200xi32, #tpu.memory_space<hbm>> -> memref<2600xi32, #tpu.memory_space<hbm>>
    tpu.wait_dma2 semaphore(%arg21 : memref<!tpu.dma_semaphore, #tpu.memory_space<semaphore_mem>>) src(%dma_wait3A_10 : memref<2600xi32, #tpu.memory_space<hbm>>) dst(%arg8 : memref<2600xi32, #tpu.memory_space<vmem>>)
    %dma_start3A_11 = arith.constant 0 : i32
    %dma_start3A_12 = arith.constant 0 : i32
    %dma_start3A_13 = tpu.memref_slice %arg9[%dma_start3A_11, %dma_start3A_12] : memref<256x128xf32, #tpu.memory_space<vmem>> -> memref<128x128xf32, #tpu.memory_space<vmem>>
    %dma_start3A_14 = arith.constant 0 : i32
    %dma_start3A_15 = tpu.memref_slice %arg8[%dma_start3A_14] : memref<2600xi32, #tpu.memory_space<vmem>> -> memref<128xi32, #tpu.memory_space<vmem>>
    %dma_start3A_16 = arith.constant 0 : i32
    %dma_start3A_17 = arith.constant 0 : i32
    %dma_start3A_18 = tpu.memref_slice %arg2[%dma_start3A_16, %dma_start3A_17] : memref<100000x128xf32, #tpu.memory_space<hbm>> -> memref<100000x128xf32, #tpu.memory_space<hbm>>
    tpu.enqueue_indirect_dma source(%dma_start3A_18 : memref<100000x128xf32, #tpu.memory_space<hbm>>) target(%dma_start3A_13 : memref<128x128xf32, #tpu.memory_space<vmem>>) offsets(%dma_start3A_15 : memref<128xi32, #tpu.memory_space<vmem>>) semaphore(%arg14 : memref<!tpu.dma_semaphore, #tpu.memory_space<semaphore_mem>>)
    %dma_start3A_19 = arith.constant 128 : i32
    %dma_start3A_20 = arith.constant 0 : i32
    %dma_start3A_21 = tpu.memref_slice %arg9[%dma_start3A_19, %dma_start3A_20] : memref<256x128xf32, #tpu.memory_space<vmem>> -> memref<128x128xf32, #tpu.memory_space<vmem>>
    %dma_start3A_22 = arith.constant 128 : i32
    %dma_start3A_23 = tpu.memref_slice %arg8[%dma_start3A_22] : memref<2600xi32, #tpu.memory_space<vmem>> -> memref<128xi32, #tpu.memory_space<vmem>>
    %dma_start3A_24 = arith.constant 0 : i32
    %dma_start3A_25 = arith.constant 0 : i32
    %dma_start3A_26 = tpu.memref_slice %arg2[%dma_start3A_24, %dma_start3A_25] : memref<100000x128xf32, #tpu.memory_space<hbm>> -> memref<100000x128xf32, #tpu.memory_space<hbm>>
    tpu.enqueue_indirect_dma source(%dma_start3A_26 : memref<100000x128xf32, #tpu.memory_space<hbm>>) target(%dma_start3A_21 : memref<128x128xf32, #tpu.memory_space<vmem>>) offsets(%dma_start3A_23 : memref<128xi32, #tpu.memory_space<vmem>>) semaphore(%arg14 : memref<!tpu.dma_semaphore, #tpu.memory_space<semaphore_mem>>)
    %dma_wait3A_27 = tpu.memref_slice %arg5[%mul3A_4] : memref<1024xi32, #tpu.memory_space<hbm>> -> memref<32xi32, #tpu.memory_space<hbm>>
    %dma_wait3A_28 = tpu.memref_slice %arg5[%mul3A_4] : memref<1024xi32, #tpu.memory_space<hbm>> -> memref<32xi32, #tpu.memory_space<hbm>>
    tpu.wait_dma2 semaphore(%arg20 : memref<!tpu.dma_semaphore, #tpu.memory_space<semaphore_mem>>) src(%dma_wait3A_28 : memref<32xi32, #tpu.memory_space<hbm>>) dst(%arg12 : memref<32xi32, #tpu.memory_space<vmem>>)
    %dma_start3A_29 = arith.constant 0 : i32
    %dma_start3A_30 = arith.constant 0 : i32
    %dma_start3A_31 = tpu.memref_slice %arg3[%dma_start3A_29, %dma_start3A_30] : memref<100000x128xf32, #tpu.memory_space<hbm>> -> memref<100000x128xf32, #tpu.memory_space<hbm>>
    tpu.enqueue_indirect_dma source(%dma_start3A_31 : memref<100000x128xf32, #tpu.memory_space<hbm>>) target(%arg13 : memref<32x128xf32, #tpu.memory_space<vmem>>) offsets(%arg12 : memref<32xi32, #tpu.memory_space<vmem>>) semaphore(%arg20 : memref<!tpu.dma_semaphore, #tpu.memory_space<semaphore_mem>>)
    %dma_start3A_32 = arith.constant 0 : i32
    %dma_start3A_33 = arith.constant 0 : i32
    %dma_start3A_34 = tpu.memref_slice %arg10[%dma_start3A_32, %dma_start3A_33] : memref<256x128xf32, #tpu.memory_space<vmem>> -> memref<128x128xf32, #tpu.memory_space<vmem>>
    %dma_start3A_35 = arith.constant 256 : i32
    %dma_start3A_36 = tpu.memref_slice %arg8[%dma_start3A_35] : memref<2600xi32, #tpu.memory_space<vmem>> -> memref<128xi32, #tpu.memory_space<vmem>>
    %dma_start3A_37 = arith.constant 0 : i32
    %dma_start3A_38 = arith.constant 0 : i32
    %dma_start3A_39 = tpu.memref_slice %arg2[%dma_start3A_37, %dma_start3A_38] : memref<100000x128xf32, #tpu.memory_space<hbm>> -> memref<100000x128xf32, #tpu.memory_space<hbm>>
    tpu.enqueue_indirect_dma source(%dma_start3A_39 : memref<100000x128xf32, #tpu.memory_space<hbm>>) target(%dma_start3A_34 : memref<128x128xf32, #tpu.memory_space<vmem>>) offsets(%dma_start3A_36 : memref<128xi32, #tpu.memory_space<vmem>>) semaphore(%arg15 : memref<!tpu.dma_semaphore, #tpu.memory_space<semaphore_mem>>)
    %dma_start3A_40 = arith.constant 128 : i32
    %dma_start3A_41 = arith.constant 0 : i32
    %dma_start3A_42 = tpu.memref_slice %arg10[%dma_start3A_40, %dma_start3A_41] : memref<256x128xf32, #tpu.memory_space<vmem>> -> memref<128x128xf32, #tpu.memory_space<vmem>>
    %dma_start3A_43 = arith.constant 384 : i32
    %dma_start3A_44 = tpu.memref_slice %arg8[%dma_start3A_43] : memref<2600xi32, #tpu.memory_space<vmem>> -> memref<128xi32, #tpu.memory_space<vmem>>
    %dma_start3A_45 = arith.constant 0 : i32
    %dma_start3A_46 = arith.constant 0 : i32
    %dma_start3A_47 = tpu.memref_slice %arg2[%dma_start3A_45, %dma_start3A_46] : memref<100000x128xf32, #tpu.memory_space<hbm>> -> memref<100000x128xf32, #tpu.memory_space<hbm>>
    tpu.enqueue_indirect_dma source(%dma_start3A_47 : memref<100000x128xf32, #tpu.memory_space<hbm>>) target(%dma_start3A_42 : memref<128x128xf32, #tpu.memory_space<vmem>>) offsets(%dma_start3A_44 : memref<128xi32, #tpu.memory_space<vmem>>) semaphore(%arg15 : memref<!tpu.dma_semaphore, #tpu.memory_space<semaphore_mem>>)
    %dma_start3A_48 = arith.constant 0 : i32
    %dma_start3A_49 = arith.constant 0 : i32
    %dma_start3A_50 = tpu.memref_slice %arg11[%dma_start3A_48, %dma_start3A_49] : memref<256x128xf32, #tpu.memory_space<vmem>> -> memref<128x128xf32, #tpu.memory_space<vmem>>
    %dma_start3A_51 = arith.constant 512 : i32
    %dma_start3A_52 = tpu.memref_slice %arg8[%dma_start3A_51] : memref<2600xi32, #tpu.memory_space<vmem>> -> memref<128xi32, #tpu.memory_space<vmem>>
    %dma_start3A_53 = arith.constant 0 : i32
    %dma_start3A_54 = arith.constant 0 : i32
    %dma_start3A_55 = tpu.memref_slice %arg2[%dma_start3A_53, %dma_start3A_54] : memref<100000x128xf32, #tpu.memory_space<hbm>> -> memref<100000x128xf32, #tpu.memory_space<hbm>>
    tpu.enqueue_indirect_dma source(%dma_start3A_55 : memref<100000x128xf32, #tpu.memory_space<hbm>>) target(%dma_start3A_50 : memref<128x128xf32, #tpu.memory_space<vmem>>) offsets(%dma_start3A_52 : memref<128xi32, #tpu.memory_space<vmem>>) semaphore(%arg16 : memref<!tpu.dma_semaphore, #tpu.memory_space<semaphore_mem>>)
    %dma_start3A_56 = arith.constant 128 : i32
    %dma_start3A_57 = arith.constant 0 : i32
    %dma_start3A_58 = tpu.memref_slice %arg11[%dma_start3A_56, %dma_start3A_57] : memref<256x128xf32, #tpu.memory_space<vmem>> -> memref<128x128xf32, #tpu.memory_space<vmem>>
    %dma_start3A_59 = arith.constant 640 : i32
    %dma_start3A_60 = tpu.memref_slice %arg8[%dma_start3A_59] : memref<2600xi32, #tpu.memory_space<vmem>> -> memref<128xi32, #tpu.memory_space<vmem>>
    %dma_start3A_61 = arith.constant 0 : i32
    %dma_start3A_62 = arith.constant 0 : i32
    %dma_start3A_63 = tpu.memref_slice %arg2[%dma_start3A_61, %dma_start3A_62] : memref<100000x128xf32, #tpu.memory_space<hbm>> -> memref<100000x128xf32, #tpu.memory_space<hbm>>
    tpu.enqueue_indirect_dma source(%dma_start3A_63 : memref<100000x128xf32, #tpu.memory_space<hbm>>) target(%dma_start3A_58 : memref<128x128xf32, #tpu.memory_space<vmem>>) offsets(%dma_start3A_60 : memref<128xi32, #tpu.memory_space<vmem>>) semaphore(%arg16 : memref<!tpu.dma_semaphore, #tpu.memory_space<semaphore_mem>>)
    %dma_wait3A_64 = arith.constant 0 : i32
    %dma_wait3A_65 = arith.constant 0 : i32
    %dma_wait3A_66 = tpu.memref_slice %arg9[%dma_wait3A_64, %dma_wait3A_65] : memref<256x128xf32, #tpu.memory_space<vmem>> -> memref<128x128xf32, #tpu.memory_space<vmem>>
    %dma_wait3A_67 = arith.constant 0 : i32
    %dma_wait3A_68 = tpu.memref_slice %arg8[%dma_wait3A_67] : memref<2600xi32, #tpu.memory_space<vmem>> -> memref<128xi32, #tpu.memory_space<vmem>>
    %dma_wait3A_69 = arith.constant 0 : i32
    %dma_wait3A_70 = arith.constant 0 : i32
    %dma_wait3A_71 = tpu.memref_slice %arg2[%dma_wait3A_69, %dma_wait3A_70] : memref<100000x128xf32, #tpu.memory_space<hbm>> -> memref<100000x128xf32, #tpu.memory_space<hbm>>
    tpu.wait_indirect_dma semaphore(%arg14 : memref<!tpu.dma_semaphore, #tpu.memory_space<semaphore_mem>>) src(%dma_wait3A_71 : memref<100000x128xf32, #tpu.memory_space<hbm>>) dst(%dma_wait3A_66 : memref<128x128xf32, #tpu.memory_space<vmem>>)
    %dma_wait3A_72 = arith.constant 128 : i32
    %dma_wait3A_73 = arith.constant 0 : i32
    %dma_wait3A_74 = tpu.memref_slice %arg9[%dma_wait3A_72, %dma_wait3A_73] : memref<256x128xf32, #tpu.memory_space<vmem>> -> memref<128x128xf32, #tpu.memory_space<vmem>>
    %dma_wait3A_75 = arith.constant 128 : i32
    %dma_wait3A_76 = tpu.memref_slice %arg8[%dma_wait3A_75] : memref<2600xi32, #tpu.memory_space<vmem>> -> memref<128xi32, #tpu.memory_space<vmem>>
    %dma_wait3A_77 = arith.constant 0 : i32
    %dma_wait3A_78 = arith.constant 0 : i32
    %dma_wait3A_79 = tpu.memref_slice %arg2[%dma_wait3A_77, %dma_wait3A_78] : memref<100000x128xf32, #tpu.memory_space<hbm>> -> memref<100000x128xf32, #tpu.memory_space<hbm>>
    tpu.wait_indirect_dma semaphore(%arg14 : memref<!tpu.dma_semaphore, #tpu.memory_space<semaphore_mem>>) src(%dma_wait3A_79 : memref<100000x128xf32, #tpu.memory_space<hbm>>) dst(%dma_wait3A_74 : memref<128x128xf32, #tpu.memory_space<vmem>>)
    %add3A_80 = arith.constant 0 : i32
    %add3A_81 = arith.addi %mul3A_2, %add3A_80 : i32
    %dma_start3A_82 = arith.constant 0 : i32
    %dma_start3A_83 = arith.constant 0 : i32
    %dma_start3A_84 = tpu.memref_slice %arg9[%dma_start3A_82, %dma_start3A_83] : memref<256x128xf32, #tpu.memory_space<vmem>> -> memref<256x128xf32, #tpu.memory_space<vmem>>
    %dma_start3A_85 = arith.constant 0 : i32
    %dma_start3A_86 = tpu.memref_slice %arg6[%add3A_81, %dma_start3A_85] : memref<83200x128xf32, #tpu.memory_space<hbm>> -> memref<256x128xf32, #tpu.memory_space<hbm>>
    %dma_start3A_87 = arith.constant 0 : i32
    %dma_start3A_88 = tpu.memref_slice %arg6[%add3A_81, %dma_start3A_87] : memref<83200x128xf32, #tpu.memory_space<hbm>> -> memref<256x128xf32, #tpu.memory_space<hbm>>
    %dma_start3A_89 = arith.constant 0 : i32
    %dma_start3A_90 = arith.constant 0 : i32
    %dma_start3A_91 = tpu.memref_slice %arg9[%dma_start3A_89, %dma_start3A_90] : memref<256x128xf32, #tpu.memory_space<vmem>> -> memref<256x128xf32, #tpu.memory_space<vmem>>
    tpu.enqueue_dma source(%dma_start3A_91 : memref<256x128xf32, #tpu.memory_space<vmem>>) target(%dma_start3A_88 : memref<256x128xf32, #tpu.memory_space<hbm>>) target_semaphore(%arg17 : memref<!tpu.dma_semaphore, #tpu.memory_space<semaphore_mem>>)
    %dma_wait3A_92 = arith.constant 0 : i32
    %dma_wait3A_93 = arith.constant 0 : i32
    %dma_wait3A_94 = tpu.memref_slice %arg9[%dma_wait3A_92, %dma_wait3A_93] : memref<256x128xf32, #tpu.memory_space<vmem>> -> memref<256x128xf32, #tpu.memory_space<vmem>>
    %dma_wait3A_95 = arith.constant 0 : i32
    %dma_wait3A_96 = tpu.memref_slice %arg6[%add3A_81, %dma_wait3A_95] : memref<83200x128xf32, #tpu.memory_space<hbm>> -> memref<256x128xf32, #tpu.memory_space<hbm>>
    %dma_wait3A_97 = arith.constant 0 : i32
    %dma_wait3A_98 = tpu.memref_slice %arg6[%add3A_81, %dma_wait3A_97] : memref<83200x128xf32, #tpu.memory_space<hbm>> -> memref<256x128xf32, #tpu.memory_space<hbm>>
    %dma_wait3A_99 = arith.constant 0 : i32
    %dma_wait3A_100 = arith.constant 0 : i32
    %dma_wait3A_101 = tpu.memref_slice %arg9[%dma_wait3A_99, %dma_wait3A_100] : memref<256x128xf32, #tpu.memory_space<vmem>> -> memref<256x128xf32, #tpu.memory_space<vmem>>
    tpu.wait_dma2 semaphore(%arg17 : memref<!tpu.dma_semaphore, #tpu.memory_space<semaphore_mem>>) src(%dma_wait3A_101 : memref<256x128xf32, #tpu.memory_space<vmem>>) dst(%dma_wait3A_98 : memref<256x128xf32, #tpu.memory_space<hbm>>)
    %dma_start3A_102 = arith.constant 0 : i32
    %dma_start3A_103 = arith.constant 0 : i32
    %dma_start3A_104 = tpu.memref_slice %arg9[%dma_start3A_102, %dma_start3A_103] : memref<256x128xf32, #tpu.memory_space<vmem>> -> memref<128x128xf32, #tpu.memory_space<vmem>>
    %dma_start3A_105 = arith.constant 768 : i32
    %dma_start3A_106 = tpu.memref_slice %arg8[%dma_start3A_105] : memref<2600xi32, #tpu.memory_space<vmem>> -> memref<128xi32, #tpu.memory_space<vmem>>
    %dma_start3A_107 = arith.constant 0 : i32
    %dma_start3A_108 = arith.constant 0 : i32
    %dma_start3A_109 = tpu.memref_slice %arg2[%dma_start3A_107, %dma_start3A_108] : memref<100000x128xf32, #tpu.memory_space<hbm>> -> memref<100000x128xf32, #tpu.memory_space<hbm>>
    tpu.enqueue_indirect_dma source(%dma_start3A_109 : memref<100000x128xf32, #tpu.memory_space<hbm>>) target(%dma_start3A_104 : memref<128x128xf32, #tpu.memory_space<vmem>>) offsets(%dma_start3A_106 : memref<128xi32, #tpu.memory_space<vmem>>) semaphore(%arg14 : memref<!tpu.dma_semaphore, #tpu.memory_space<semaphore_mem>>)
    %dma_start3A_110 = arith.constant 128 : i32
    %dma_start3A_111 = arith.constant 0 : i32
    %dma_start3A_112 = tpu.memref_slice %arg9[%dma_start3A_110, %dma_start3A_111] : memref<256x128xf32, #tpu.memory_space<vmem>> -> memref<128x128xf32, #tpu.memory_space<vmem>>
    %dma_start3A_113 = arith.constant 896 : i32
    %dma_start3A_114 = tpu.memref_slice %arg8[%dma_start3A_113] : memref<2600xi32, #tpu.memory_space<vmem>> -> memref<128xi32, #tpu.memory_space<vmem>>
    %dma_start3A_115 = arith.constant 0 : i32
    %dma_start3A_116 = arith.constant 0 : i32
    %dma_start3A_117 = tpu.memref_slice %arg2[%dma_start3A_115, %dma_start3A_116] : memref<100000x128xf32, #tpu.memory_space<hbm>> -> memref<100000x128xf32, #tpu.memory_space<hbm>>
    tpu.enqueue_indirect_dma source(%dma_start3A_117 : memref<100000x128xf32, #tpu.memory_space<hbm>>) target(%dma_start3A_112 : memref<128x128xf32, #tpu.memory_space<vmem>>) offsets(%dma_start3A_114 : memref<128xi32, #tpu.memory_space<vmem>>) semaphore(%arg14 : memref<!tpu.dma_semaphore, #tpu.memory_space<semaphore_mem>>)
    %dma_wait3A_118 = arith.constant 0 : i32
    %dma_wait3A_119 = arith.constant 0 : i32
    %dma_wait3A_120 = tpu.memref_slice %arg10[%dma_wait3A_118, %dma_wait3A_119] : memref<256x128xf32, #tpu.memory_space<vmem>> -> memref<128x128xf32, #tpu.memory_space<vmem>>
    %dma_wait3A_121 = arith.constant 256 : i32
    %dma_wait3A_122 = tpu.memref_slice %arg8[%dma_wait3A_121] : memref<2600xi32, #tpu.memory_space<vmem>> -> memref<128xi32, #tpu.memory_space<vmem>>
    %dma_wait3A_123 = arith.constant 0 : i32
    %dma_wait3A_124 = arith.constant 0 : i32
    %dma_wait3A_125 = tpu.memref_slice %arg2[%dma_wait3A_123, %dma_wait3A_124] : memref<100000x128xf32, #tpu.memory_space<hbm>> -> memref<100000x128xf32, #tpu.memory_space<hbm>>
    tpu.wait_indirect_dma semaphore(%arg15 : memref<!tpu.dma_semaphore, #tpu.memory_space<semaphore_mem>>) src(%dma_wait3A_125 : memref<100000x128xf32, #tpu.memory_space<hbm>>) dst(%dma_wait3A_120 : memref<128x128xf32, #tpu.memory_space<vmem>>)
    %dma_wait3A_126 = arith.constant 128 : i32
    %dma_wait3A_127 = arith.constant 0 : i32
    %dma_wait3A_128 = tpu.memref_slice %arg10[%dma_wait3A_126, %dma_wait3A_127] : memref<256x128xf32, #tpu.memory_space<vmem>> -> memref<128x128xf32, #tpu.memory_space<vmem>>
    %dma_wait3A_129 = arith.constant 384 : i32
    %dma_wait3A_130 = tpu.memref_slice %arg8[%dma_wait3A_129] : memref<2600xi32, #tpu.memory_space<vmem>> -> memref<128xi32, #tpu.memory_space<vmem>>
    %dma_wait3A_131 = arith.constant 0 : i32
    %dma_wait3A_132 = arith.constant 0 : i32
    %dma_wait3A_133 = tpu.memref_slice %arg2[%dma_wait3A_131, %dma_wait3A_132] : memref<100000x128xf32, #tpu.memory_space<hbm>> -> memref<100000x128xf32, #tpu.memory_space<hbm>>
    tpu.wait_indirect_dma semaphore(%arg15 : memref<!tpu.dma_semaphore, #tpu.memory_space<semaphore_mem>>) src(%dma_wait3A_133 : memref<100000x128xf32, #tpu.memory_space<hbm>>) dst(%dma_wait3A_128 : memref<128x128xf32, #tpu.memory_space<vmem>>)
    %add3A_134 = arith.constant 256 : i32
    %add3A_135 = arith.addi %mul3A_2, %add3A_134 : i32
    %dma_start3A_136 = arith.constant 0 : i32
    %dma_start3A_137 = arith.constant 0 : i32
    %dma_start3A_138 = tpu.memref_slice %arg10[%dma_start3A_136, %dma_start3A_137] : memref<256x128xf32, #tpu.memory_space<vmem>> -> memref<256x128xf32, #tpu.memory_space<vmem>>
    %dma_start3A_139 = arith.constant 0 : i32
    %dma_start3A_140 = tpu.memref_slice %arg6[%add3A_135, %dma_start3A_139] : memref<83200x128xf32, #tpu.memory_space<hbm>> -> memref<256x128xf32, #tpu.memory_space<hbm>>
    %dma_start3A_141 = arith.constant 0 : i32
    %dma_start3A_142 = tpu.memref_slice %arg6[%add3A_135, %dma_start3A_141] : memref<83200x128xf32, #tpu.memory_space<hbm>> -> memref<256x128xf32, #tpu.memory_space<hbm>>
    %dma_start3A_143 = arith.constant 0 : i32
    %dma_start3A_144 = arith.constant 0 : i32
    %dma_start3A_145 = tpu.memref_slice %arg10[%dma_start3A_143, %dma_start3A_144] : memref<256x128xf32, #tpu.memory_space<vmem>> -> memref<256x128xf32, #tpu.memory_space<vmem>>
    tpu.enqueue_dma source(%dma_start3A_145 : memref<256x128xf32, #tpu.memory_space<vmem>>) target(%dma_start3A_142 : memref<256x128xf32, #tpu.memory_space<hbm>>) target_semaphore(%arg18 : memref<!tpu.dma_semaphore, #tpu.memory_space<semaphore_mem>>)
    %dma_wait3A_146 = arith.constant 0 : i32
    %dma_wait3A_147 = arith.constant 0 : i32
    %dma_wait3A_148 = tpu.memref_slice %arg10[%dma_wait3A_146, %dma_wait3A_147] : memref<256x128xf32, #tpu.memory_space<vmem>> -> memref<256x128xf32, #tpu.memory_space<vmem>>
    %dma_wait3A_149 = arith.constant 0 : i32
    %dma_wait3A_150 = tpu.memref_slice %arg6[%add3A_135, %dma_wait3A_149] : memref<83200x128xf32, #tpu.memory_space<hbm>> -> memref<256x128xf32, #tpu.memory_space<hbm>>
    %dma_wait3A_151 = arith.constant 0 : i32
    %dma_wait3A_152 = tpu.memref_slice %arg6[%add3A_135, %dma_wait3A_151] : memref<83200x128xf32, #tpu.memory_space<hbm>> -> memref<256x128xf32, #tpu.memory_space<hbm>>
    %dma_wait3A_153 = arith.constant 0 : i32
    %dma_wait3A_154 = arith.constant 0 : i32
    %dma_wait3A_155 = tpu.memref_slice %arg10[%dma_wait3A_153, %dma_wait3A_154] : memref<256x128xf32, #tpu.memory_space<vmem>> -> memref<256x128xf32, #tpu.memory_space<vmem>>
    tpu.wait_dma2 semaphore(%arg18 : memref<!tpu.dma_semaphore, #tpu.memory_space<semaphore_mem>>) src(%dma_wait3A_155 : memref<256x128xf32, #tpu.memory_space<vmem>>) dst(%dma_wait3A_152 : memref<256x128xf32, #tpu.memory_space<hbm>>)
    %dma_start3A_156 = arith.constant 0 : i32
    %dma_start3A_157 = arith.constant 0 : i32
    %dma_start3A_158 = tpu.memref_slice %arg10[%dma_start3A_156, %dma_start3A_157] : memref<256x128xf32, #tpu.memory_space<vmem>> -> memref<128x128xf32, #tpu.memory_space<vmem>>
    %dma_start3A_159 = arith.constant 1024 : i32
    %dma_start3A_160 = tpu.memref_slice %arg8[%dma_start3A_159] : memref<2600xi32, #tpu.memory_space<vmem>> -> memref<128xi32, #tpu.memory_space<vmem>>
    %dma_start3A_161 = arith.constant 0 : i32
    %dma_start3A_162 = arith.constant 0 : i32
    %dma_start3A_163 = tpu.memref_slice %arg2[%dma_start3A_161, %dma_start3A_162] : memref<100000x128xf32, #tpu.memory_space<hbm>> -> memref<100000x128xf32, #tpu.memory_space<hbm>>
    tpu.enqueue_indirect_dma source(%dma_start3A_163 : memref<100000x128xf32, #tpu.memory_space<hbm>>) target(%dma_start3A_158 : memref<128x128xf32, #tpu.memory_space<vmem>>) offsets(%dma_start3A_160 : memref<128xi32, #tpu.memory_space<vmem>>) semaphore(%arg15 : memref<!tpu.dma_semaphore, #tpu.memory_space<semaphore_mem>>)
    %dma_start3A_164 = arith.constant 128 : i32
    %dma_start3A_165 = arith.constant 0 : i32
    %dma_start3A_166 = tpu.memref_slice %arg10[%dma_start3A_164, %dma_start3A_165] : memref<256x128xf32, #tpu.memory_space<vmem>> -> memref<128x128xf32, #tpu.memory_space<vmem>>
    %dma_start3A_167 = arith.constant 1152 : i32
    %dma_start3A_168 = tpu.memref_slice %arg8[%dma_start3A_167] : memref<2600xi32, #tpu.memory_space<vmem>> -> memref<128xi32, #tpu.memory_space<vmem>>
    %dma_start3A_169 = arith.constant 0 : i32
    %dma_start3A_170 = arith.constant 0 : i32
    %dma_start3A_171 = tpu.memref_slice %arg2[%dma_start3A_169, %dma_start3A_170] : memref<100000x128xf32, #tpu.memory_space<hbm>> -> memref<100000x128xf32, #tpu.memory_space<hbm>>
    tpu.enqueue_indirect_dma source(%dma_start3A_171 : memref<100000x128xf32, #tpu.memory_space<hbm>>) target(%dma_start3A_166 : memref<128x128xf32, #tpu.memory_space<vmem>>) offsets(%dma_start3A_168 : memref<128xi32, #tpu.memory_space<vmem>>) semaphore(%arg15 : memref<!tpu.dma_semaphore, #tpu.memory_space<semaphore_mem>>)
    %dma_wait3A_172 = arith.constant 0 : i32
    %dma_wait3A_173 = arith.constant 0 : i32
    %dma_wait3A_174 = tpu.memref_slice %arg11[%dma_wait3A_172, %dma_wait3A_173] : memref<256x128xf32, #tpu.memory_space<vmem>> -> memref<128x128xf32, #tpu.memory_space<vmem>>
    %dma_wait3A_175 = arith.constant 512 : i32
    %dma_wait3A_176 = tpu.memref_slice %arg8[%dma_wait3A_175] : memref<2600xi32, #tpu.memory_space<vmem>> -> memref<128xi32, #tpu.memory_space<vmem>>
    %dma_wait3A_177 = arith.constant 0 : i32
    %dma_wait3A_178 = arith.constant 0 : i32
    %dma_wait3A_179 = tpu.memref_slice %arg2[%dma_wait3A_177, %dma_wait3A_178] : memref<100000x128xf32, #tpu.memory_space<hbm>> -> memref<100000x128xf32, #tpu.memory_space<hbm>>
    tpu.wait_indirect_dma semaphore(%arg16 : memref<!tpu.dma_semaphore, #tpu.memory_space<semaphore_mem>>) src(%dma_wait3A_179 : memref<100000x128xf32, #tpu.memory_space<hbm>>) dst(%dma_wait3A_174 : memref<128x128xf32, #tpu.memory_space<vmem>>)
    %dma_wait3A_180 = arith.constant 128 : i32
    %dma_wait3A_181 = arith.constant 0 : i32
    %dma_wait3A_182 = tpu.memref_slice %arg11[%dma_wait3A_180, %dma_wait3A_181] : memref<256x128xf32, #tpu.memory_space<vmem>> -> memref<128x128xf32, #tpu.memory_space<vmem>>
    %dma_wait3A_183 = arith.constant 640 : i32
    %dma_wait3A_184 = tpu.memref_slice %arg8[%dma_wait3A_183] : memref<2600xi32, #tpu.memory_space<vmem>> -> memref<128xi32, #tpu.memory_space<vmem>>
    %dma_wait3A_185 = arith.constant 0 : i32
    %dma_wait3A_186 = arith.constant 0 : i32
    %dma_wait3A_187 = tpu.memref_slice %arg2[%dma_wait3A_185, %dma_wait3A_186] : memref<100000x128xf32, #tpu.memory_space<hbm>> -> memref<100000x128xf32, #tpu.memory_space<hbm>>
    tpu.wait_indirect_dma semaphore(%arg16 : memref<!tpu.dma_semaphore, #tpu.memory_space<semaphore_mem>>) src(%dma_wait3A_187 : memref<100000x128xf32, #tpu.memory_space<hbm>>) dst(%dma_wait3A_182 : memref<128x128xf32, #tpu.memory_space<vmem>>)
    %add3A_188 = arith.constant 512 : i32
    %add3A_189 = arith.addi %mul3A_2, %add3A_188 : i32
    %dma_start3A_190 = arith.constant 0 : i32
    %dma_start3A_191 = arith.constant 0 : i32
    %dma_start3A_192 = tpu.memref_slice %arg11[%dma_start3A_190, %dma_start3A_191] : memref<256x128xf32, #tpu.memory_space<vmem>> -> memref<256x128xf32, #tpu.memory_space<vmem>>
    %dma_start3A_193 = arith.constant 0 : i32
    %dma_start3A_194 = tpu.memref_slice %arg6[%add3A_189, %dma_start3A_193] : memref<83200x128xf32, #tpu.memory_space<hbm>> -> memref<256x128xf32, #tpu.memory_space<hbm>>
    %dma_start3A_195 = arith.constant 0 : i32
    %dma_start3A_196 = tpu.memref_slice %arg6[%add3A_189, %dma_start3A_195] : memref<83200x128xf32, #tpu.memory_space<hbm>> -> memref<256x128xf32, #tpu.memory_space<hbm>>
    %dma_start3A_197 = arith.constant 0 : i32
    %dma_start3A_198 = arith.constant 0 : i32
    %dma_start3A_199 = tpu.memref_slice %arg11[%dma_start3A_197, %dma_start3A_198] : memref<256x128xf32, #tpu.memory_space<vmem>> -> memref<256x128xf32, #tpu.memory_space<vmem>>
    tpu.enqueue_dma source(%dma_start3A_199 : memref<256x128xf32, #tpu.memory_space<vmem>>) target(%dma_start3A_196 : memref<256x128xf32, #tpu.memory_space<hbm>>) target_semaphore(%arg19 : memref<!tpu.dma_semaphore, #tpu.memory_space<semaphore_mem>>)
    %dma_wait3A_200 = arith.constant 0 : i32
    %dma_wait3A_201 = arith.constant 0 : i32
    %dma_wait3A_202 = tpu.memref_slice %arg11[%dma_wait3A_200, %dma_wait3A_201] : memref<256x128xf32, #tpu.memory_space<vmem>> -> memref<256x128xf32, #tpu.memory_space<vmem>>
    %dma_wait3A_203 = arith.constant 0 : i32
    %dma_wait3A_204 = tpu.memref_slice %arg6[%add3A_189, %dma_wait3A_203] : memref<83200x128xf32, #tpu.memory_space<hbm>> -> memref<256x128xf32, #tpu.memory_space<hbm>>
    %dma_wait3A_205 = arith.constant 0 : i32
    %dma_wait3A_206 = tpu.memref_slice %arg6[%add3A_189, %dma_wait3A_205] : memref<83200x128xf32, #tpu.memory_space<hbm>> -> memref<256x128xf32, #tpu.memory_space<hbm>>
    %dma_wait3A_207 = arith.constant 0 : i32
    %dma_wait3A_208 = arith.constant 0 : i32
    %dma_wait3A_209 = tpu.memref_slice %arg11[%dma_wait3A_207, %dma_wait3A_208] : memref<256x128xf32, #tpu.memory_space<vmem>> -> memref<256x128xf32, #tpu.memory_space<vmem>>
    tpu.wait_dma2 semaphore(%arg19 : memref<!tpu.dma_semaphore, #tpu.memory_space<semaphore_mem>>) src(%dma_wait3A_209 : memref<256x128xf32, #tpu.memory_space<vmem>>) dst(%dma_wait3A_206 : memref<256x128xf32, #tpu.memory_space<hbm>>)
    %dma_start3A_210 = arith.constant 0 : i32
    %dma_start3A_211 = arith.constant 0 : i32
    %dma_start3A_212 = tpu.memref_slice %arg11[%dma_start3A_210, %dma_start3A_211] : memref<256x128xf32, #tpu.memory_space<vmem>> -> memref<128x128xf32, #tpu.memory_space<vmem>>
    %dma_start3A_213 = arith.constant 1280 : i32
    %dma_start3A_214 = tpu.memref_slice %arg8[%dma_start3A_213] : memref<2600xi32, #tpu.memory_space<vmem>> -> memref<128xi32, #tpu.memory_space<vmem>>
    %dma_start3A_215 = arith.constant 0 : i32
    %dma_start3A_216 = arith.constant 0 : i32
    %dma_start3A_217 = tpu.memref_slice %arg2[%dma_start3A_215, %dma_start3A_216] : memref<100000x128xf32, #tpu.memory_space<hbm>> -> memref<100000x128xf32, #tpu.memory_space<hbm>>
    tpu.enqueue_indirect_dma source(%dma_start3A_217 : memref<100000x128xf32, #tpu.memory_space<hbm>>) target(%dma_start3A_212 : memref<128x128xf32, #tpu.memory_space<vmem>>) offsets(%dma_start3A_214 : memref<128xi32, #tpu.memory_space<vmem>>) semaphore(%arg16 : memref<!tpu.dma_semaphore, #tpu.memory_space<semaphore_mem>>)
    %dma_start3A_218 = arith.constant 128 : i32
    %dma_start3A_219 = arith.constant 0 : i32
    %dma_start3A_220 = tpu.memref_slice %arg11[%dma_start3A_218, %dma_start3A_219] : memref<256x128xf32, #tpu.memory_space<vmem>> -> memref<128x128xf32, #tpu.memory_space<vmem>>
    %dma_start3A_221 = arith.constant 1408 : i32
    %dma_start3A_222 = tpu.memref_slice %arg8[%dma_start3A_221] : memref<2600xi32, #tpu.memory_space<vmem>> -> memref<128xi32, #tpu.memory_space<vmem>>
    %dma_start3A_223 = arith.constant 0 : i32
    %dma_start3A_224 = arith.constant 0 : i32
    %dma_start3A_225 = tpu.memref_slice %arg2[%dma_start3A_223, %dma_start3A_224] : memref<100000x128xf32, #tpu.memory_space<hbm>> -> memref<100000x128xf32, #tpu.memory_space<hbm>>
    tpu.enqueue_indirect_dma source(%dma_start3A_225 : memref<100000x128xf32, #tpu.memory_space<hbm>>) target(%dma_start3A_220 : memref<128x128xf32, #tpu.memory_space<vmem>>) offsets(%dma_start3A_222 : memref<128xi32, #tpu.memory_space<vmem>>) semaphore(%arg16 : memref<!tpu.dma_semaphore, #tpu.memory_space<semaphore_mem>>)
    %dma_wait3A_226 = arith.constant 0 : i32
    %dma_wait3A_227 = arith.constant 0 : i32
    %dma_wait3A_228 = tpu.memref_slice %arg9[%dma_wait3A_226, %dma_wait3A_227] : memref<256x128xf32, #tpu.memory_space<vmem>> -> memref<128x128xf32, #tpu.memory_space<vmem>>
    %dma_wait3A_229 = arith.constant 768 : i32
    %dma_wait3A_230 = tpu.memref_slice %arg8[%dma_wait3A_229] : memref<2600xi32, #tpu.memory_space<vmem>> -> memref<128xi32, #tpu.memory_space<vmem>>
    %dma_wait3A_231 = arith.constant 0 : i32
    %dma_wait3A_232 = arith.constant 0 : i32
    %dma_wait3A_233 = tpu.memref_slice %arg2[%dma_wait3A_231, %dma_wait3A_232] : memref<100000x128xf32, #tpu.memory_space<hbm>> -> memref<100000x128xf32, #tpu.memory_space<hbm>>
    tpu.wait_indirect_dma semaphore(%arg14 : memref<!tpu.dma_semaphore, #tpu.memory_space<semaphore_mem>>) src(%dma_wait3A_233 : memref<100000x128xf32, #tpu.memory_space<hbm>>) dst(%dma_wait3A_228 : memref<128x128xf32, #tpu.memory_space<vmem>>)
    %dma_wait3A_234 = arith.constant 128 : i32
    %dma_wait3A_235 = arith.constant 0 : i32
    %dma_wait3A_236 = tpu.memref_slice %arg9[%dma_wait3A_234, %dma_wait3A_235] : memref<256x128xf32, #tpu.memory_space<vmem>> -> memref<128x128xf32, #tpu.memory_space<vmem>>
    %dma_wait3A_237 = arith.constant 896 : i32
    %dma_wait3A_238 = tpu.memref_slice %arg8[%dma_wait3A_237] : memref<2600xi32, #tpu.memory_space<vmem>> -> memref<128xi32, #tpu.memory_space<vmem>>
    %dma_wait3A_239 = arith.constant 0 : i32
    %dma_wait3A_240 = arith.constant 0 : i32
    %dma_wait3A_241 = tpu.memref_slice %arg2[%dma_wait3A_239, %dma_wait3A_240] : memref<100000x128xf32, #tpu.memory_space<hbm>> -> memref<100000x128xf32, #tpu.memory_space<hbm>>
    tpu.wait_indirect_dma semaphore(%arg14 : memref<!tpu.dma_semaphore, #tpu.memory_space<semaphore_mem>>) src(%dma_wait3A_241 : memref<100000x128xf32, #tpu.memory_space<hbm>>) dst(%dma_wait3A_236 : memref<128x128xf32, #tpu.memory_space<vmem>>)
    %add3A_242 = arith.constant 768 : i32
    %add3A_243 = arith.addi %mul3A_2, %add3A_242 : i32
    %dma_start3A_244 = arith.constant 0 : i32
    %dma_start3A_245 = arith.constant 0 : i32
    %dma_start3A_246 = tpu.memref_slice %arg9[%dma_start3A_244, %dma_start3A_245] : memref<256x128xf32, #tpu.memory_space<vmem>> -> memref<256x128xf32, #tpu.memory_space<vmem>>
    %dma_start3A_247 = arith.constant 0 : i32
    %dma_start3A_248 = tpu.memref_slice %arg6[%add3A_243, %dma_start3A_247] : memref<83200x128xf32, #tpu.memory_space<hbm>> -> memref<256x128xf32, #tpu.memory_space<hbm>>
    %dma_start3A_249 = arith.constant 0 : i32
    %dma_start3A_250 = tpu.memref_slice %arg6[%add3A_243, %dma_start3A_249] : memref<83200x128xf32, #tpu.memory_space<hbm>> -> memref<256x128xf32, #tpu.memory_space<hbm>>
    %dma_start3A_251 = arith.constant 0 : i32
    %dma_start3A_252 = arith.constant 0 : i32
    %dma_start3A_253 = tpu.memref_slice %arg9[%dma_start3A_251, %dma_start3A_252] : memref<256x128xf32, #tpu.memory_space<vmem>> -> memref<256x128xf32, #tpu.memory_space<vmem>>
    tpu.enqueue_dma source(%dma_start3A_253 : memref<256x128xf32, #tpu.memory_space<vmem>>) target(%dma_start3A_250 : memref<256x128xf32, #tpu.memory_space<hbm>>) target_semaphore(%arg17 : memref<!tpu.dma_semaphore, #tpu.memory_space<semaphore_mem>>)
    %dma_wait3A_254 = arith.constant 0 : i32
    %dma_wait3A_255 = arith.constant 0 : i32
    %dma_wait3A_256 = tpu.memref_slice %arg9[%dma_wait3A_254, %dma_wait3A_255] : memref<256x128xf32, #tpu.memory_space<vmem>> -> memref<256x128xf32, #tpu.memory_space<vmem>>
    %dma_wait3A_257 = arith.constant 0 : i32
    %dma_wait3A_258 = tpu.memref_slice %arg6[%add3A_243, %dma_wait3A_257] : memref<83200x128xf32, #tpu.memory_space<hbm>> -> memref<256x128xf32, #tpu.memory_space<hbm>>
    %dma_wait3A_259 = arith.constant 0 : i32
    %dma_wait3A_260 = tpu.memref_slice %arg6[%add3A_243, %dma_wait3A_259] : memref<83200x128xf32, #tpu.memory_space<hbm>> -> memref<256x128xf32, #tpu.memory_space<hbm>>
    %dma_wait3A_261 = arith.constant 0 : i32
    %dma_wait3A_262 = arith.constant 0 : i32
    %dma_wait3A_263 = tpu.memref_slice %arg9[%dma_wait3A_261, %dma_wait3A_262] : memref<256x128xf32, #tpu.memory_space<vmem>> -> memref<256x128xf32, #tpu.memory_space<vmem>>
    tpu.wait_dma2 semaphore(%arg17 : memref<!tpu.dma_semaphore, #tpu.memory_space<semaphore_mem>>) src(%dma_wait3A_263 : memref<256x128xf32, #tpu.memory_space<vmem>>) dst(%dma_wait3A_260 : memref<256x128xf32, #tpu.memory_space<hbm>>)
    %dma_start3A_264 = arith.constant 0 : i32
    %dma_start3A_265 = arith.constant 0 : i32
    %dma_start3A_266 = tpu.memref_slice %arg9[%dma_start3A_264, %dma_start3A_265] : memref<256x128xf32, #tpu.memory_space<vmem>> -> memref<128x128xf32, #tpu.memory_space<vmem>>
    %dma_start3A_267 = arith.constant 1536 : i32
    %dma_start3A_268 = tpu.memref_slice %arg8[%dma_start3A_267] : memref<2600xi32, #tpu.memory_space<vmem>> -> memref<128xi32, #tpu.memory_space<vmem>>
    %dma_start3A_269 = arith.constant 0 : i32
    %dma_start3A_270 = arith.constant 0 : i32
    %dma_start3A_271 = tpu.memref_slice %arg2[%dma_start3A_269, %dma_start3A_270] : memref<100000x128xf32, #tpu.memory_space<hbm>> -> memref<100000x128xf32, #tpu.memory_space<hbm>>
    tpu.enqueue_indirect_dma source(%dma_start3A_271 : memref<100000x128xf32, #tpu.memory_space<hbm>>) target(%dma_start3A_266 : memref<128x128xf32, #tpu.memory_space<vmem>>) offsets(%dma_start3A_268 : memref<128xi32, #tpu.memory_space<vmem>>) semaphore(%arg14 : memref<!tpu.dma_semaphore, #tpu.memory_space<semaphore_mem>>)
    %dma_start3A_272 = arith.constant 128 : i32
    %dma_start3A_273 = arith.constant 0 : i32
    %dma_start3A_274 = tpu.memref_slice %arg9[%dma_start3A_272, %dma_start3A_273] : memref<256x128xf32, #tpu.memory_space<vmem>> -> memref<128x128xf32, #tpu.memory_space<vmem>>
    %dma_start3A_275 = arith.constant 1664 : i32
    %dma_start3A_276 = tpu.memref_slice %arg8[%dma_start3A_275] : memref<2600xi32, #tpu.memory_space<vmem>> -> memref<128xi32, #tpu.memory_space<vmem>>
    %dma_start3A_277 = arith.constant 0 : i32
    %dma_start3A_278 = arith.constant 0 : i32
    %dma_start3A_279 = tpu.memref_slice %arg2[%dma_start3A_277, %dma_start3A_278] : memref<100000x128xf32, #tpu.memory_space<hbm>> -> memref<100000x128xf32, #tpu.memory_space<hbm>>
    tpu.enqueue_indirect_dma source(%dma_start3A_279 : memref<100000x128xf32, #tpu.memory_space<hbm>>) target(%dma_start3A_274 : memref<128x128xf32, #tpu.memory_space<vmem>>) offsets(%dma_start3A_276 : memref<128xi32, #tpu.memory_space<vmem>>) semaphore(%arg14 : memref<!tpu.dma_semaphore, #tpu.memory_space<semaphore_mem>>)
    %dma_wait3A_280 = arith.constant 0 : i32
    %dma_wait3A_281 = arith.constant 0 : i32
    %dma_wait3A_282 = tpu.memref_slice %arg10[%dma_wait3A_280, %dma_wait3A_281] : memref<256x128xf32, #tpu.memory_space<vmem>> -> memref<128x128xf32, #tpu.memory_space<vmem>>
    %dma_wait3A_283 = arith.constant 1024 : i32
    %dma_wait3A_284 = tpu.memref_slice %arg8[%dma_wait3A_283] : memref<2600xi32, #tpu.memory_space<vmem>> -> memref<128xi32, #tpu.memory_space<vmem>>
    %dma_wait3A_285 = arith.constant 0 : i32
    %dma_wait3A_286 = arith.constant 0 : i32
    %dma_wait3A_287 = tpu.memref_slice %arg2[%dma_wait3A_285, %dma_wait3A_286] : memref<100000x128xf32, #tpu.memory_space<hbm>> -> memref<100000x128xf32, #tpu.memory_space<hbm>>
    tpu.wait_indirect_dma semaphore(%arg15 : memref<!tpu.dma_semaphore, #tpu.memory_space<semaphore_mem>>) src(%dma_wait3A_287 : memref<100000x128xf32, #tpu.memory_space<hbm>>) dst(%dma_wait3A_282 : memref<128x128xf32, #tpu.memory_space<vmem>>)
    %dma_wait3A_288 = arith.constant 128 : i32
    %dma_wait3A_289 = arith.constant 0 : i32
    %dma_wait3A_290 = tpu.memref_slice %arg10[%dma_wait3A_288, %dma_wait3A_289] : memref<256x128xf32, #tpu.memory_space<vmem>> -> memref<128x128xf32, #tpu.memory_space<vmem>>
    %dma_wait3A_291 = arith.constant 1152 : i32
    %dma_wait3A_292 = tpu.memref_slice %arg8[%dma_wait3A_291] : memref<2600xi32, #tpu.memory_space<vmem>> -> memref<128xi32, #tpu.memory_space<vmem>>
    %dma_wait3A_293 = arith.constant 0 : i32
    %dma_wait3A_294 = arith.constant 0 : i32
    %dma_wait3A_295 = tpu.memref_slice %arg2[%dma_wait3A_293, %dma_wait3A_294] : memref<100000x128xf32, #tpu.memory_space<hbm>> -> memref<100000x128xf32, #tpu.memory_space<hbm>>
    tpu.wait_indirect_dma semaphore(%arg15 : memref<!tpu.dma_semaphore, #tpu.memory_space<semaphore_mem>>) src(%dma_wait3A_295 : memref<100000x128xf32, #tpu.memory_space<hbm>>) dst(%dma_wait3A_290 : memref<128x128xf32, #tpu.memory_space<vmem>>)
    %add3A_296 = arith.constant 1024 : i32
    %add3A_297 = arith.addi %mul3A_2, %add3A_296 : i32
    %dma_start3A_298 = arith.constant 0 : i32
    %dma_start3A_299 = arith.constant 0 : i32
    %dma_start3A_300 = tpu.memref_slice %arg10[%dma_start3A_298, %dma_start3A_299] : memref<256x128xf32, #tpu.memory_space<vmem>> -> memref<256x128xf32, #tpu.memory_space<vmem>>
    %dma_start3A_301 = arith.constant 0 : i32
    %dma_start3A_302 = tpu.memref_slice %arg6[%add3A_297, %dma_start3A_301] : memref<83200x128xf32, #tpu.memory_space<hbm>> -> memref<256x128xf32, #tpu.memory_space<hbm>>
    %dma_start3A_303 = arith.constant 0 : i32
    %dma_start3A_304 = tpu.memref_slice %arg6[%add3A_297, %dma_start3A_303] : memref<83200x128xf32, #tpu.memory_space<hbm>> -> memref<256x128xf32, #tpu.memory_space<hbm>>
    %dma_start3A_305 = arith.constant 0 : i32
    %dma_start3A_306 = arith.constant 0 : i32
    %dma_start3A_307 = tpu.memref_slice %arg10[%dma_start3A_305, %dma_start3A_306] : memref<256x128xf32, #tpu.memory_space<vmem>> -> memref<256x128xf32, #tpu.memory_space<vmem>>
    tpu.enqueue_dma source(%dma_start3A_307 : memref<256x128xf32, #tpu.memory_space<vmem>>) target(%dma_start3A_304 : memref<256x128xf32, #tpu.memory_space<hbm>>) target_semaphore(%arg18 : memref<!tpu.dma_semaphore, #tpu.memory_space<semaphore_mem>>)
    %dma_wait3A_308 = arith.constant 0 : i32
    %dma_wait3A_309 = arith.constant 0 : i32
    %dma_wait3A_310 = tpu.memref_slice %arg10[%dma_wait3A_308, %dma_wait3A_309] : memref<256x128xf32, #tpu.memory_space<vmem>> -> memref<256x128xf32, #tpu.memory_space<vmem>>
    %dma_wait3A_311 = arith.constant 0 : i32
    %dma_wait3A_312 = tpu.memref_slice %arg6[%add3A_297, %dma_wait3A_311] : memref<83200x128xf32, #tpu.memory_space<hbm>> -> memref<256x128xf32, #tpu.memory_space<hbm>>
    %dma_wait3A_313 = arith.constant 0 : i32
    %dma_wait3A_314 = tpu.memref_slice %arg6[%add3A_297, %dma_wait3A_313] : memref<83200x128xf32, #tpu.memory_space<hbm>> -> memref<256x128xf32, #tpu.memory_space<hbm>>
    %dma_wait3A_315 = arith.constant 0 : i32
    %dma_wait3A_316 = arith.constant 0 : i32
    %dma_wait3A_317 = tpu.memref_slice %arg10[%dma_wait3A_315, %dma_wait3A_316] : memref<256x128xf32, #tpu.memory_space<vmem>> -> memref<256x128xf32, #tpu.memory_space<vmem>>
    tpu.wait_dma2 semaphore(%arg18 : memref<!tpu.dma_semaphore, #tpu.memory_space<semaphore_mem>>) src(%dma_wait3A_317 : memref<256x128xf32, #tpu.memory_space<vmem>>) dst(%dma_wait3A_314 : memref<256x128xf32, #tpu.memory_space<hbm>>)
    %dma_start3A_318 = arith.constant 0 : i32
    %dma_start3A_319 = arith.constant 0 : i32
    %dma_start3A_320 = tpu.memref_slice %arg10[%dma_start3A_318, %dma_start3A_319] : memref<256x128xf32, #tpu.memory_space<vmem>> -> memref<128x128xf32, #tpu.memory_space<vmem>>
    %dma_start3A_321 = arith.constant 1792 : i32
    %dma_start3A_322 = tpu.memref_slice %arg8[%dma_start3A_321] : memref<2600xi32, #tpu.memory_space<vmem>> -> memref<128xi32, #tpu.memory_space<vmem>>
    %dma_start3A_323 = arith.constant 0 : i32
    %dma_start3A_324 = arith.constant 0 : i32
    %dma_start3A_325 = tpu.memref_slice %arg2[%dma_start3A_323, %dma_start3A_324] : memref<100000x128xf32, #tpu.memory_space<hbm>> -> memref<100000x128xf32, #tpu.memory_space<hbm>>
    tpu.enqueue_indirect_dma source(%dma_start3A_325 : memref<100000x128xf32, #tpu.memory_space<hbm>>) target(%dma_start3A_320 : memref<128x128xf32, #tpu.memory_space<vmem>>) offsets(%dma_start3A_322 : memref<128xi32, #tpu.memory_space<vmem>>) semaphore(%arg15 : memref<!tpu.dma_semaphore, #tpu.memory_space<semaphore_mem>>)
    %dma_start3A_326 = arith.constant 128 : i32
    %dma_start3A_327 = arith.constant 0 : i32
    %dma_start3A_328 = tpu.memref_slice %arg10[%dma_start3A_326, %dma_start3A_327] : memref<256x128xf32, #tpu.memory_space<vmem>> -> memref<128x128xf32, #tpu.memory_space<vmem>>
    %dma_start3A_329 = arith.constant 1920 : i32
    %dma_start3A_330 = tpu.memref_slice %arg8[%dma_start3A_329] : memref<2600xi32, #tpu.memory_space<vmem>> -> memref<128xi32, #tpu.memory_space<vmem>>
    %dma_start3A_331 = arith.constant 0 : i32
    %dma_start3A_332 = arith.constant 0 : i32
    %dma_start3A_333 = tpu.memref_slice %arg2[%dma_start3A_331, %dma_start3A_332] : memref<100000x128xf32, #tpu.memory_space<hbm>> -> memref<100000x128xf32, #tpu.memory_space<hbm>>
    tpu.enqueue_indirect_dma source(%dma_start3A_333 : memref<100000x128xf32, #tpu.memory_space<hbm>>) target(%dma_start3A_328 : memref<128x128xf32, #tpu.memory_space<vmem>>) offsets(%dma_start3A_330 : memref<128xi32, #tpu.memory_space<vmem>>) semaphore(%arg15 : memref<!tpu.dma_semaphore, #tpu.memory_space<semaphore_mem>>)
    %dma_wait3A_334 = arith.constant 0 : i32
    %dma_wait3A_335 = arith.constant 0 : i32
    %dma_wait3A_336 = tpu.memref_slice %arg11[%dma_wait3A_334, %dma_wait3A_335] : memref<256x128xf32, #tpu.memory_space<vmem>> -> memref<128x128xf32, #tpu.memory_space<vmem>>
    %dma_wait3A_337 = arith.constant 1280 : i32
    %dma_wait3A_338 = tpu.memref_slice %arg8[%dma_wait3A_337] : memref<2600xi32, #tpu.memory_space<vmem>> -> memref<128xi32, #tpu.memory_space<vmem>>
    %dma_wait3A_339 = arith.constant 0 : i32
    %dma_wait3A_340 = arith.constant 0 : i32
    %dma_wait3A_341 = tpu.memref_slice %arg2[%dma_wait3A_339, %dma_wait3A_340] : memref<100000x128xf32, #tpu.memory_space<hbm>> -> memref<100000x128xf32, #tpu.memory_space<hbm>>
    tpu.wait_indirect_dma semaphore(%arg16 : memref<!tpu.dma_semaphore, #tpu.memory_space<semaphore_mem>>) src(%dma_wait3A_341 : memref<100000x128xf32, #tpu.memory_space<hbm>>) dst(%dma_wait3A_336 : memref<128x128xf32, #tpu.memory_space<vmem>>)
    %dma_wait3A_342 = arith.constant 128 : i32
    %dma_wait3A_343 = arith.constant 0 : i32
    %dma_wait3A_344 = tpu.memref_slice %arg11[%dma_wait3A_342, %dma_wait3A_343] : memref<256x128xf32, #tpu.memory_space<vmem>> -> memref<128x128xf32, #tpu.memory_space<vmem>>
    %dma_wait3A_345 = arith.constant 1408 : i32
    %dma_wait3A_346 = tpu.memref_slice %arg8[%dma_wait3A_345] : memref<2600xi32, #tpu.memory_space<vmem>> -> memref<128xi32, #tpu.memory_space<vmem>>
    %dma_wait3A_347 = arith.constant 0 : i32
    %dma_wait3A_348 = arith.constant 0 : i32
    %dma_wait3A_349 = tpu.memref_slice %arg2[%dma_wait3A_347, %dma_wait3A_348] : memref<100000x128xf32, #tpu.memory_space<hbm>> -> memref<100000x128xf32, #tpu.memory_space<hbm>>
    tpu.wait_indirect_dma semaphore(%arg16 : memref<!tpu.dma_semaphore, #tpu.memory_space<semaphore_mem>>) src(%dma_wait3A_349 : memref<100000x128xf32, #tpu.memory_space<hbm>>) dst(%dma_wait3A_344 : memref<128x128xf32, #tpu.memory_space<vmem>>)
    %add3A_350 = arith.constant 1280 : i32
    %add3A_351 = arith.addi %mul3A_2, %add3A_350 : i32
    %dma_start3A_352 = arith.constant 0 : i32
    %dma_start3A_353 = arith.constant 0 : i32
    %dma_start3A_354 = tpu.memref_slice %arg11[%dma_start3A_352, %dma_start3A_353] : memref<256x128xf32, #tpu.memory_space<vmem>> -> memref<256x128xf32, #tpu.memory_space<vmem>>
    %dma_start3A_355 = arith.constant 0 : i32
    %dma_start3A_356 = tpu.memref_slice %arg6[%add3A_351, %dma_start3A_355] : memref<83200x128xf32, #tpu.memory_space<hbm>> -> memref<256x128xf32, #tpu.memory_space<hbm>>
    %dma_start3A_357 = arith.constant 0 : i32
    %dma_start3A_358 = tpu.memref_slice %arg6[%add3A_351, %dma_start3A_357] : memref<83200x128xf32, #tpu.memory_space<hbm>> -> memref<256x128xf32, #tpu.memory_space<hbm>>
    %dma_start3A_359 = arith.constant 0 : i32
    %dma_start3A_360 = arith.constant 0 : i32
    %dma_start3A_361 = tpu.memref_slice %arg11[%dma_start3A_359, %dma_start3A_360] : memref<256x128xf32, #tpu.memory_space<vmem>> -> memref<256x128xf32, #tpu.memory_space<vmem>>
    tpu.enqueue_dma source(%dma_start3A_361 : memref<256x128xf32, #tpu.memory_space<vmem>>) target(%dma_start3A_358 : memref<256x128xf32, #tpu.memory_space<hbm>>) target_semaphore(%arg19 : memref<!tpu.dma_semaphore, #tpu.memory_space<semaphore_mem>>)
    %dma_wait3A_362 = arith.constant 0 : i32
    %dma_wait3A_363 = arith.constant 0 : i32
    %dma_wait3A_364 = tpu.memref_slice %arg11[%dma_wait3A_362, %dma_wait3A_363] : memref<256x128xf32, #tpu.memory_space<vmem>> -> memref<256x128xf32, #tpu.memory_space<vmem>>
    %dma_wait3A_365 = arith.constant 0 : i32
    %dma_wait3A_366 = tpu.memref_slice %arg6[%add3A_351, %dma_wait3A_365] : memref<83200x128xf32, #tpu.memory_space<hbm>> -> memref<256x128xf32, #tpu.memory_space<hbm>>
    %dma_wait3A_367 = arith.constant 0 : i32
    %dma_wait3A_368 = tpu.memref_slice %arg6[%add3A_351, %dma_wait3A_367] : memref<83200x128xf32, #tpu.memory_space<hbm>> -> memref<256x128xf32, #tpu.memory_space<hbm>>
    %dma_wait3A_369 = arith.constant 0 : i32
    %dma_wait3A_370 = arith.constant 0 : i32
    %dma_wait3A_371 = tpu.memref_slice %arg11[%dma_wait3A_369, %dma_wait3A_370] : memref<256x128xf32, #tpu.memory_space<vmem>> -> memref<256x128xf32, #tpu.memory_space<vmem>>
    tpu.wait_dma2 semaphore(%arg19 : memref<!tpu.dma_semaphore, #tpu.memory_space<semaphore_mem>>) src(%dma_wait3A_371 : memref<256x128xf32, #tpu.memory_space<vmem>>) dst(%dma_wait3A_368 : memref<256x128xf32, #tpu.memory_space<hbm>>)
    %dma_start3A_372 = arith.constant 0 : i32
    %dma_start3A_373 = arith.constant 0 : i32
    %dma_start3A_374 = tpu.memref_slice %arg11[%dma_start3A_372, %dma_start3A_373] : memref<256x128xf32, #tpu.memory_space<vmem>> -> memref<128x128xf32, #tpu.memory_space<vmem>>
    %dma_start3A_375 = arith.constant 2048 : i32
    %dma_start3A_376 = tpu.memref_slice %arg8[%dma_start3A_375] : memref<2600xi32, #tpu.memory_space<vmem>> -> memref<128xi32, #tpu.memory_space<vmem>>
    %dma_start3A_377 = arith.constant 0 : i32
    %dma_start3A_378 = arith.constant 0 : i32
    %dma_start3A_379 = tpu.memref_slice %arg2[%dma_start3A_377, %dma_start3A_378] : memref<100000x128xf32, #tpu.memory_space<hbm>> -> memref<100000x128xf32, #tpu.memory_space<hbm>>
    tpu.enqueue_indirect_dma source(%dma_start3A_379 : memref<100000x128xf32, #tpu.memory_space<hbm>>) target(%dma_start3A_374 : memref<128x128xf32, #tpu.memory_space<vmem>>) offsets(%dma_start3A_376 : memref<128xi32, #tpu.memory_space<vmem>>) semaphore(%arg16 : memref<!tpu.dma_semaphore, #tpu.memory_space<semaphore_mem>>)
    %dma_start3A_380 = arith.constant 128 : i32
    %dma_start3A_381 = arith.constant 0 : i32
    %dma_start3A_382 = tpu.memref_slice %arg11[%dma_start3A_380, %dma_start3A_381] : memref<256x128xf32, #tpu.memory_space<vmem>> -> memref<128x128xf32, #tpu.memory_space<vmem>>
    %dma_start3A_383 = arith.constant 2176 : i32
    %dma_start3A_384 = tpu.memref_slice %arg8[%dma_start3A_383] : memref<2600xi32, #tpu.memory_space<vmem>> -> memref<128xi32, #tpu.memory_space<vmem>>
    %dma_start3A_385 = arith.constant 0 : i32
    %dma_start3A_386 = arith.constant 0 : i32
    %dma_start3A_387 = tpu.memref_slice %arg2[%dma_start3A_385, %dma_start3A_386] : memref<100000x128xf32, #tpu.memory_space<hbm>> -> memref<100000x128xf32, #tpu.memory_space<hbm>>
    tpu.enqueue_indirect_dma source(%dma_start3A_387 : memref<100000x128xf32, #tpu.memory_space<hbm>>) target(%dma_start3A_382 : memref<128x128xf32, #tpu.memory_space<vmem>>) offsets(%dma_start3A_384 : memref<128xi32, #tpu.memory_space<vmem>>) semaphore(%arg16 : memref<!tpu.dma_semaphore, #tpu.memory_space<semaphore_mem>>)
    %dma_wait3A_388 = arith.constant 0 : i32
    %dma_wait3A_389 = arith.constant 0 : i32
    %dma_wait3A_390 = tpu.memref_slice %arg9[%dma_wait3A_388, %dma_wait3A_389] : memref<256x128xf32, #tpu.memory_space<vmem>> -> memref<128x128xf32, #tpu.memory_space<vmem>>
    %dma_wait3A_391 = arith.constant 1536 : i32
    %dma_wait3A_392 = tpu.memref_slice %arg8[%dma_wait3A_391] : memref<2600xi32, #tpu.memory_space<vmem>> -> memref<128xi32, #tpu.memory_space<vmem>>
    %dma_wait3A_393 = arith.constant 0 : i32
    %dma_wait3A_394 = arith.constant 0 : i32
    %dma_wait3A_395 = tpu.memref_slice %arg2[%dma_wait3A_393, %dma_wait3A_394] : memref<100000x128xf32, #tpu.memory_space<hbm>> -> memref<100000x128xf32, #tpu.memory_space<hbm>>
    tpu.wait_indirect_dma semaphore(%arg14 : memref<!tpu.dma_semaphore, #tpu.memory_space<semaphore_mem>>) src(%dma_wait3A_395 : memref<100000x128xf32, #tpu.memory_space<hbm>>) dst(%dma_wait3A_390 : memref<128x128xf32, #tpu.memory_space<vmem>>)
    %dma_wait3A_396 = arith.constant 128 : i32
    %dma_wait3A_397 = arith.constant 0 : i32
    %dma_wait3A_398 = tpu.memref_slice %arg9[%dma_wait3A_396, %dma_wait3A_397] : memref<256x128xf32, #tpu.memory_space<vmem>> -> memref<128x128xf32, #tpu.memory_space<vmem>>
    %dma_wait3A_399 = arith.constant 1664 : i32
    %dma_wait3A_400 = tpu.memref_slice %arg8[%dma_wait3A_399] : memref<2600xi32, #tpu.memory_space<vmem>> -> memref<128xi32, #tpu.memory_space<vmem>>
    %dma_wait3A_401 = arith.constant 0 : i32
    %dma_wait3A_402 = arith.constant 0 : i32
    %dma_wait3A_403 = tpu.memref_slice %arg2[%dma_wait3A_401, %dma_wait3A_402] : memref<100000x128xf32, #tpu.memory_space<hbm>> -> memref<100000x128xf32, #tpu.memory_space<hbm>>
    tpu.wait_indirect_dma semaphore(%arg14 : memref<!tpu.dma_semaphore, #tpu.memory_space<semaphore_mem>>) src(%dma_wait3A_403 : memref<100000x128xf32, #tpu.memory_space<hbm>>) dst(%dma_wait3A_398 : memref<128x128xf32, #tpu.memory_space<vmem>>)
    %add3A_404 = arith.constant 1536 : i32
    %add3A_405 = arith.addi %mul3A_2, %add3A_404 : i32
    %dma_start3A_406 = arith.constant 0 : i32
    %dma_start3A_407 = arith.constant 0 : i32
    %dma_start3A_408 = tpu.memref_slice %arg9[%dma_start3A_406, %dma_start3A_407] : memref<256x128xf32, #tpu.memory_space<vmem>> -> memref<256x128xf32, #tpu.memory_space<vmem>>
    %dma_start3A_409 = arith.constant 0 : i32
    %dma_start3A_410 = tpu.memref_slice %arg6[%add3A_405, %dma_start3A_409] : memref<83200x128xf32, #tpu.memory_space<hbm>> -> memref<256x128xf32, #tpu.memory_space<hbm>>
    %dma_start3A_411 = arith.constant 0 : i32
    %dma_start3A_412 = tpu.memref_slice %arg6[%add3A_405, %dma_start3A_411] : memref<83200x128xf32, #tpu.memory_space<hbm>> -> memref<256x128xf32, #tpu.memory_space<hbm>>
    %dma_start3A_413 = arith.constant 0 : i32
    %dma_start3A_414 = arith.constant 0 : i32
    %dma_start3A_415 = tpu.memref_slice %arg9[%dma_start3A_413, %dma_start3A_414] : memref<256x128xf32, #tpu.memory_space<vmem>> -> memref<256x128xf32, #tpu.memory_space<vmem>>
    tpu.enqueue_dma source(%dma_start3A_415 : memref<256x128xf32, #tpu.memory_space<vmem>>) target(%dma_start3A_412 : memref<256x128xf32, #tpu.memory_space<hbm>>) target_semaphore(%arg17 : memref<!tpu.dma_semaphore, #tpu.memory_space<semaphore_mem>>)
    %dma_wait3A_416 = arith.constant 0 : i32
    %dma_wait3A_417 = arith.constant 0 : i32
    %dma_wait3A_418 = tpu.memref_slice %arg9[%dma_wait3A_416, %dma_wait3A_417] : memref<256x128xf32, #tpu.memory_space<vmem>> -> memref<256x128xf32, #tpu.memory_space<vmem>>
    %dma_wait3A_419 = arith.constant 0 : i32
    %dma_wait3A_420 = tpu.memref_slice %arg6[%add3A_405, %dma_wait3A_419] : memref<83200x128xf32, #tpu.memory_space<hbm>> -> memref<256x128xf32, #tpu.memory_space<hbm>>
    %dma_wait3A_421 = arith.constant 0 : i32
    %dma_wait3A_422 = tpu.memref_slice %arg6[%add3A_405, %dma_wait3A_421] : memref<83200x128xf32, #tpu.memory_space<hbm>> -> memref<256x128xf32, #tpu.memory_space<hbm>>
    %dma_wait3A_423 = arith.constant 0 : i32
    %dma_wait3A_424 = arith.constant 0 : i32
    %dma_wait3A_425 = tpu.memref_slice %arg9[%dma_wait3A_423, %dma_wait3A_424] : memref<256x128xf32, #tpu.memory_space<vmem>> -> memref<256x128xf32, #tpu.memory_space<vmem>>
    tpu.wait_dma2 semaphore(%arg17 : memref<!tpu.dma_semaphore, #tpu.memory_space<semaphore_mem>>) src(%dma_wait3A_425 : memref<256x128xf32, #tpu.memory_space<vmem>>) dst(%dma_wait3A_422 : memref<256x128xf32, #tpu.memory_space<hbm>>)
    %dma_start3A_426 = arith.constant 0 : i32
    %dma_start3A_427 = arith.constant 0 : i32
    %dma_start3A_428 = tpu.memref_slice %arg9[%dma_start3A_426, %dma_start3A_427] : memref<256x128xf32, #tpu.memory_space<vmem>> -> memref<128x128xf32, #tpu.memory_space<vmem>>
    %dma_start3A_429 = arith.constant 2304 : i32
    %dma_start3A_430 = tpu.memref_slice %arg8[%dma_start3A_429] : memref<2600xi32, #tpu.memory_space<vmem>> -> memref<128xi32, #tpu.memory_space<vmem>>
    %dma_start3A_431 = arith.constant 0 : i32
    %dma_start3A_432 = arith.constant 0 : i32
    %dma_start3A_433 = tpu.memref_slice %arg2[%dma_start3A_431, %dma_start3A_432] : memref<100000x128xf32, #tpu.memory_space<hbm>> -> memref<100000x128xf32, #tpu.memory_space<hbm>>
    tpu.enqueue_indirect_dma source(%dma_start3A_433 : memref<100000x128xf32, #tpu.memory_space<hbm>>) target(%dma_start3A_428 : memref<128x128xf32, #tpu.memory_space<vmem>>) offsets(%dma_start3A_430 : memref<128xi32, #tpu.memory_space<vmem>>) semaphore(%arg14 : memref<!tpu.dma_semaphore, #tpu.memory_space<semaphore_mem>>)
    %dma_start3A_434 = arith.constant 128 : i32
    %dma_start3A_435 = arith.constant 0 : i32
    %dma_start3A_436 = tpu.memref_slice %arg9[%dma_start3A_434, %dma_start3A_435] : memref<256x128xf32, #tpu.memory_space<vmem>> -> memref<128x128xf32, #tpu.memory_space<vmem>>
    %dma_start3A_437 = arith.constant 2432 : i32
    %dma_start3A_438 = tpu.memref_slice %arg8[%dma_start3A_437] : memref<2600xi32, #tpu.memory_space<vmem>> -> memref<128xi32, #tpu.memory_space<vmem>>
    %dma_start3A_439 = arith.constant 0 : i32
    %dma_start3A_440 = arith.constant 0 : i32
    %dma_start3A_441 = tpu.memref_slice %arg2[%dma_start3A_439, %dma_start3A_440] : memref<100000x128xf32, #tpu.memory_space<hbm>> -> memref<100000x128xf32, #tpu.memory_space<hbm>>
    tpu.enqueue_indirect_dma source(%dma_start3A_441 : memref<100000x128xf32, #tpu.memory_space<hbm>>) target(%dma_start3A_436 : memref<128x128xf32, #tpu.memory_space<vmem>>) offsets(%dma_start3A_438 : memref<128xi32, #tpu.memory_space<vmem>>) semaphore(%arg14 : memref<!tpu.dma_semaphore, #tpu.memory_space<semaphore_mem>>)
    %dma_wait3A_442 = arith.constant 0 : i32
    %dma_wait3A_443 = arith.constant 0 : i32
    %dma_wait3A_444 = tpu.memref_slice %arg10[%dma_wait3A_442, %dma_wait3A_443] : memref<256x128xf32, #tpu.memory_space<vmem>> -> memref<128x128xf32, #tpu.memory_space<vmem>>
    %dma_wait3A_445 = arith.constant 1792 : i32
    %dma_wait3A_446 = tpu.memref_slice %arg8[%dma_wait3A_445] : memref<2600xi32, #tpu.memory_space<vmem>> -> memref<128xi32, #tpu.memory_space<vmem>>
    %dma_wait3A_447 = arith.constant 0 : i32
    %dma_wait3A_448 = arith.constant 0 : i32
    %dma_wait3A_449 = tpu.memref_slice %arg2[%dma_wait3A_447, %dma_wait3A_448] : memref<100000x128xf32, #tpu.memory_space<hbm>> -> memref<100000x128xf32, #tpu.memory_space<hbm>>
    tpu.wait_indirect_dma semaphore(%arg15 : memref<!tpu.dma_semaphore, #tpu.memory_space<semaphore_mem>>) src(%dma_wait3A_449 : memref<100000x128xf32, #tpu.memory_space<hbm>>) dst(%dma_wait3A_444 : memref<128x128xf32, #tpu.memory_space<vmem>>)
    %dma_wait3A_450 = arith.constant 128 : i32
    %dma_wait3A_451 = arith.constant 0 : i32
    %dma_wait3A_452 = tpu.memref_slice %arg10[%dma_wait3A_450, %dma_wait3A_451] : memref<256x128xf32, #tpu.memory_space<vmem>> -> memref<128x128xf32, #tpu.memory_space<vmem>>
    %dma_wait3A_453 = arith.constant 1920 : i32
    %dma_wait3A_454 = tpu.memref_slice %arg8[%dma_wait3A_453] : memref<2600xi32, #tpu.memory_space<vmem>> -> memref<128xi32, #tpu.memory_space<vmem>>
    %dma_wait3A_455 = arith.constant 0 : i32
    %dma_wait3A_456 = arith.constant 0 : i32
    %dma_wait3A_457 = tpu.memref_slice %arg2[%dma_wait3A_455, %dma_wait3A_456] : memref<100000x128xf32, #tpu.memory_space<hbm>> -> memref<100000x128xf32, #tpu.memory_space<hbm>>
    tpu.wait_indirect_dma semaphore(%arg15 : memref<!tpu.dma_semaphore, #tpu.memory_space<semaphore_mem>>) src(%dma_wait3A_457 : memref<100000x128xf32, #tpu.memory_space<hbm>>) dst(%dma_wait3A_452 : memref<128x128xf32, #tpu.memory_space<vmem>>)
    %add3A_458 = arith.constant 1792 : i32
    %add3A_459 = arith.addi %mul3A_2, %add3A_458 : i32
    %dma_start3A_460 = arith.constant 0 : i32
    %dma_start3A_461 = arith.constant 0 : i32
    %dma_start3A_462 = tpu.memref_slice %arg10[%dma_start3A_460, %dma_start3A_461] : memref<256x128xf32, #tpu.memory_space<vmem>> -> memref<256x128xf32, #tpu.memory_space<vmem>>
    %dma_start3A_463 = arith.constant 0 : i32
    %dma_start3A_464 = tpu.memref_slice %arg6[%add3A_459, %dma_start3A_463] : memref<83200x128xf32, #tpu.memory_space<hbm>> -> memref<256x128xf32, #tpu.memory_space<hbm>>
    %dma_start3A_465 = arith.constant 0 : i32
    %dma_start3A_466 = tpu.memref_slice %arg6[%add3A_459, %dma_start3A_465] : memref<83200x128xf32, #tpu.memory_space<hbm>> -> memref<256x128xf32, #tpu.memory_space<hbm>>
    %dma_start3A_467 = arith.constant 0 : i32
    %dma_start3A_468 = arith.constant 0 : i32
    %dma_start3A_469 = tpu.memref_slice %arg10[%dma_start3A_467, %dma_start3A_468] : memref<256x128xf32, #tpu.memory_space<vmem>> -> memref<256x128xf32, #tpu.memory_space<vmem>>
    tpu.enqueue_dma source(%dma_start3A_469 : memref<256x128xf32, #tpu.memory_space<vmem>>) target(%dma_start3A_466 : memref<256x128xf32, #tpu.memory_space<hbm>>) target_semaphore(%arg18 : memref<!tpu.dma_semaphore, #tpu.memory_space<semaphore_mem>>)
    %dma_wait3A_470 = arith.constant 0 : i32
    %dma_wait3A_471 = arith.constant 0 : i32
    %dma_wait3A_472 = tpu.memref_slice %arg10[%dma_wait3A_470, %dma_wait3A_471] : memref<256x128xf32, #tpu.memory_space<vmem>> -> memref<256x128xf32, #tpu.memory_space<vmem>>
    %dma_wait3A_473 = arith.constant 0 : i32
    %dma_wait3A_474 = tpu.memref_slice %arg6[%add3A_459, %dma_wait3A_473] : memref<83200x128xf32, #tpu.memory_space<hbm>> -> memref<256x128xf32, #tpu.memory_space<hbm>>
    %dma_wait3A_475 = arith.constant 0 : i32
    %dma_wait3A_476 = tpu.memref_slice %arg6[%add3A_459, %dma_wait3A_475] : memref<83200x128xf32, #tpu.memory_space<hbm>> -> memref<256x128xf32, #tpu.memory_space<hbm>>
    %dma_wait3A_477 = arith.constant 0 : i32
    %dma_wait3A_478 = arith.constant 0 : i32
    %dma_wait3A_479 = tpu.memref_slice %arg10[%dma_wait3A_477, %dma_wait3A_478] : memref<256x128xf32, #tpu.memory_space<vmem>> -> memref<256x128xf32, #tpu.memory_space<vmem>>
    tpu.wait_dma2 semaphore(%arg18 : memref<!tpu.dma_semaphore, #tpu.memory_space<semaphore_mem>>) src(%dma_wait3A_479 : memref<256x128xf32, #tpu.memory_space<vmem>>) dst(%dma_wait3A_476 : memref<256x128xf32, #tpu.memory_space<hbm>>)
    %dma_start3A_480 = arith.constant 0 : i32
    %dma_start3A_481 = arith.constant 0 : i32
    %dma_start3A_482 = tpu.memref_slice %arg10[%dma_start3A_480, %dma_start3A_481] : memref<256x128xf32, #tpu.memory_space<vmem>> -> memref<40x128xf32, #tpu.memory_space<vmem>>
    %dma_start3A_483 = arith.constant 2560 : i32
    %dma_start3A_484 = tpu.memref_slice %arg8[%dma_start3A_483] : memref<2600xi32, #tpu.memory_space<vmem>> -> memref<40xi32, #tpu.memory_space<vmem>>
    %dma_start3A_485 = arith.constant 0 : i32
    %dma_start3A_486 = arith.constant 0 : i32
    %dma_start3A_487 = tpu.memref_slice %arg2[%dma_start3A_485, %dma_start3A_486] : memref<100000x128xf32, #tpu.memory_space<hbm>> -> memref<100000x128xf32, #tpu.memory_space<hbm>>
    tpu.enqueue_indirect_dma source(%dma_start3A_487 : memref<100000x128xf32, #tpu.memory_space<hbm>>) target(%dma_start3A_482 : memref<40x128xf32, #tpu.memory_space<vmem>>) offsets(%dma_start3A_484 : memref<40xi32, #tpu.memory_space<vmem>>) semaphore(%arg15 : memref<!tpu.dma_semaphore, #tpu.memory_space<semaphore_mem>>)
    %dma_wait3A_488 = arith.constant 0 : i32
    %dma_wait3A_489 = arith.constant 0 : i32
    %dma_wait3A_490 = tpu.memref_slice %arg11[%dma_wait3A_488, %dma_wait3A_489] : memref<256x128xf32, #tpu.memory_space<vmem>> -> memref<128x128xf32, #tpu.memory_space<vmem>>
    %dma_wait3A_491 = arith.constant 2048 : i32
    %dma_wait3A_492 = tpu.memref_slice %arg8[%dma_wait3A_491] : memref<2600xi32, #tpu.memory_space<vmem>> -> memref<128xi32, #tpu.memory_space<vmem>>
    %dma_wait3A_493 = arith.constant 0 : i32
    %dma_wait3A_494 = arith.constant 0 : i32
    %dma_wait3A_495 = tpu.memref_slice %arg2[%dma_wait3A_493, %dma_wait3A_494] : memref<100000x128xf32, #tpu.memory_space<hbm>> -> memref<100000x128xf32, #tpu.memory_space<hbm>>
    tpu.wait_indirect_dma semaphore(%arg16 : memref<!tpu.dma_semaphore, #tpu.memory_space<semaphore_mem>>) src(%dma_wait3A_495 : memref<100000x128xf32, #tpu.memory_space<hbm>>) dst(%dma_wait3A_490 : memref<128x128xf32, #tpu.memory_space<vmem>>)
    %dma_wait3A_496 = arith.constant 128 : i32
    %dma_wait3A_497 = arith.constant 0 : i32
    %dma_wait3A_498 = tpu.memref_slice %arg11[%dma_wait3A_496, %dma_wait3A_497] : memref<256x128xf32, #tpu.memory_space<vmem>> -> memref<128x128xf32, #tpu.memory_space<vmem>>
    %dma_wait3A_499 = arith.constant 2176 : i32
    %dma_wait3A_500 = tpu.memref_slice %arg8[%dma_wait3A_499] : memref<2600xi32, #tpu.memory_space<vmem>> -> memref<128xi32, #tpu.memory_space<vmem>>
    %dma_wait3A_501 = arith.constant 0 : i32
    %dma_wait3A_502 = arith.constant 0 : i32
    %dma_wait3A_503 = tpu.memref_slice %arg2[%dma_wait3A_501, %dma_wait3A_502] : memref<100000x128xf32, #tpu.memory_space<hbm>> -> memref<100000x128xf32, #tpu.memory_space<hbm>>
    tpu.wait_indirect_dma semaphore(%arg16 : memref<!tpu.dma_semaphore, #tpu.memory_space<semaphore_mem>>) src(%dma_wait3A_503 : memref<100000x128xf32, #tpu.memory_space<hbm>>) dst(%dma_wait3A_498 : memref<128x128xf32, #tpu.memory_space<vmem>>)
    %add3A_504 = arith.constant 2048 : i32
    %add3A_505 = arith.addi %mul3A_2, %add3A_504 : i32
    %dma_start3A_506 = arith.constant 0 : i32
    %dma_start3A_507 = arith.constant 0 : i32
    %dma_start3A_508 = tpu.memref_slice %arg11[%dma_start3A_506, %dma_start3A_507] : memref<256x128xf32, #tpu.memory_space<vmem>> -> memref<256x128xf32, #tpu.memory_space<vmem>>
    %dma_start3A_509 = arith.constant 0 : i32
    %dma_start3A_510 = tpu.memref_slice %arg6[%add3A_505, %dma_start3A_509] : memref<83200x128xf32, #tpu.memory_space<hbm>> -> memref<256x128xf32, #tpu.memory_space<hbm>>
    %dma_start3A_511 = arith.constant 0 : i32
    %dma_start3A_512 = tpu.memref_slice %arg6[%add3A_505, %dma_start3A_511] : memref<83200x128xf32, #tpu.memory_space<hbm>> -> memref<256x128xf32, #tpu.memory_space<hbm>>
    %dma_start3A_513 = arith.constant 0 : i32
    %dma_start3A_514 = arith.constant 0 : i32
    %dma_start3A_515 = tpu.memref_slice %arg11[%dma_start3A_513, %dma_start3A_514] : memref<256x128xf32, #tpu.memory_space<vmem>> -> memref<256x128xf32, #tpu.memory_space<vmem>>
    tpu.enqueue_dma source(%dma_start3A_515 : memref<256x128xf32, #tpu.memory_space<vmem>>) target(%dma_start3A_512 : memref<256x128xf32, #tpu.memory_space<hbm>>) target_semaphore(%arg19 : memref<!tpu.dma_semaphore, #tpu.memory_space<semaphore_mem>>)
    %dma_wait3A_516 = arith.constant 0 : i32
    %dma_wait3A_517 = arith.constant 0 : i32
    %dma_wait3A_518 = tpu.memref_slice %arg9[%dma_wait3A_516, %dma_wait3A_517] : memref<256x128xf32, #tpu.memory_space<vmem>> -> memref<128x128xf32, #tpu.memory_space<vmem>>
    %dma_wait3A_519 = arith.constant 2304 : i32
    %dma_wait3A_520 = tpu.memref_slice %arg8[%dma_wait3A_519] : memref<2600xi32, #tpu.memory_space<vmem>> -> memref<128xi32, #tpu.memory_space<vmem>>
    %dma_wait3A_521 = arith.constant 0 : i32
    %dma_wait3A_522 = arith.constant 0 : i32
    %dma_wait3A_523 = tpu.memref_slice %arg2[%dma_wait3A_521, %dma_wait3A_522] : memref<100000x128xf32, #tpu.memory_space<hbm>> -> memref<100000x128xf32, #tpu.memory_space<hbm>>
    tpu.wait_indirect_dma semaphore(%arg14 : memref<!tpu.dma_semaphore, #tpu.memory_space<semaphore_mem>>) src(%dma_wait3A_523 : memref<100000x128xf32, #tpu.memory_space<hbm>>) dst(%dma_wait3A_518 : memref<128x128xf32, #tpu.memory_space<vmem>>)
    %dma_wait3A_524 = arith.constant 128 : i32
    %dma_wait3A_525 = arith.constant 0 : i32
    %dma_wait3A_526 = tpu.memref_slice %arg9[%dma_wait3A_524, %dma_wait3A_525] : memref<256x128xf32, #tpu.memory_space<vmem>> -> memref<128x128xf32, #tpu.memory_space<vmem>>
    %dma_wait3A_527 = arith.constant 2432 : i32
    %dma_wait3A_528 = tpu.memref_slice %arg8[%dma_wait3A_527] : memref<2600xi32, #tpu.memory_space<vmem>> -> memref<128xi32, #tpu.memory_space<vmem>>
    %dma_wait3A_529 = arith.constant 0 : i32
    %dma_wait3A_530 = arith.constant 0 : i32
    %dma_wait3A_531 = tpu.memref_slice %arg2[%dma_wait3A_529, %dma_wait3A_530] : memref<100000x128xf32, #tpu.memory_space<hbm>> -> memref<100000x128xf32, #tpu.memory_space<hbm>>
    tpu.wait_indirect_dma semaphore(%arg14 : memref<!tpu.dma_semaphore, #tpu.memory_space<semaphore_mem>>) src(%dma_wait3A_531 : memref<100000x128xf32, #tpu.memory_space<hbm>>) dst(%dma_wait3A_526 : memref<128x128xf32, #tpu.memory_space<vmem>>)
    %add3A_532 = arith.constant 2304 : i32
    %add3A_533 = arith.addi %mul3A_2, %add3A_532 : i32
    %dma_start3A_534 = arith.constant 0 : i32
    %dma_start3A_535 = arith.constant 0 : i32
    %dma_start3A_536 = tpu.memref_slice %arg9[%dma_start3A_534, %dma_start3A_535] : memref<256x128xf32, #tpu.memory_space<vmem>> -> memref<256x128xf32, #tpu.memory_space<vmem>>
    %dma_start3A_537 = arith.constant 0 : i32
    %dma_start3A_538 = tpu.memref_slice %arg6[%add3A_533, %dma_start3A_537] : memref<83200x128xf32, #tpu.memory_space<hbm>> -> memref<256x128xf32, #tpu.memory_space<hbm>>
    %dma_start3A_539 = arith.constant 0 : i32
    %dma_start3A_540 = tpu.memref_slice %arg6[%add3A_533, %dma_start3A_539] : memref<83200x128xf32, #tpu.memory_space<hbm>> -> memref<256x128xf32, #tpu.memory_space<hbm>>
    %dma_start3A_541 = arith.constant 0 : i32
    %dma_start3A_542 = arith.constant 0 : i32
    %dma_start3A_543 = tpu.memref_slice %arg9[%dma_start3A_541, %dma_start3A_542] : memref<256x128xf32, #tpu.memory_space<vmem>> -> memref<256x128xf32, #tpu.memory_space<vmem>>
    tpu.enqueue_dma source(%dma_start3A_543 : memref<256x128xf32, #tpu.memory_space<vmem>>) target(%dma_start3A_540 : memref<256x128xf32, #tpu.memory_space<hbm>>) target_semaphore(%arg17 : memref<!tpu.dma_semaphore, #tpu.memory_space<semaphore_mem>>)
    %dma_wait3A_544 = arith.constant 0 : i32
    %dma_wait3A_545 = arith.constant 0 : i32
    %dma_wait3A_546 = tpu.memref_slice %arg10[%dma_wait3A_544, %dma_wait3A_545] : memref<256x128xf32, #tpu.memory_space<vmem>> -> memref<40x128xf32, #tpu.memory_space<vmem>>
    %dma_wait3A_547 = arith.constant 2560 : i32
    %dma_wait3A_548 = tpu.memref_slice %arg8[%dma_wait3A_547] : memref<2600xi32, #tpu.memory_space<vmem>> -> memref<40xi32, #tpu.memory_space<vmem>>
    %dma_wait3A_549 = arith.constant 0 : i32
    %dma_wait3A_550 = arith.constant 0 : i32
    %dma_wait3A_551 = tpu.memref_slice %arg2[%dma_wait3A_549, %dma_wait3A_550] : memref<100000x128xf32, #tpu.memory_space<hbm>> -> memref<100000x128xf32, #tpu.memory_space<hbm>>
    tpu.wait_indirect_dma semaphore(%arg15 : memref<!tpu.dma_semaphore, #tpu.memory_space<semaphore_mem>>) src(%dma_wait3A_551 : memref<100000x128xf32, #tpu.memory_space<hbm>>) dst(%dma_wait3A_546 : memref<40x128xf32, #tpu.memory_space<vmem>>)
    %add3A_552 = arith.constant 2560 : i32
    %add3A_553 = arith.addi %mul3A_2, %add3A_552 : i32
    %dma_start3A_554 = arith.constant 0 : i32
    %dma_start3A_555 = arith.constant 0 : i32
    %dma_start3A_556 = tpu.memref_slice %arg10[%dma_start3A_554, %dma_start3A_555] : memref<256x128xf32, #tpu.memory_space<vmem>> -> memref<40x128xf32, #tpu.memory_space<vmem>>
    %dma_start3A_557 = arith.constant 0 : i32
    %dma_start3A_558 = tpu.memref_slice %arg6[%add3A_553, %dma_start3A_557] : memref<83200x128xf32, #tpu.memory_space<hbm>> -> memref<40x128xf32, #tpu.memory_space<hbm>>
    %dma_start3A_559 = arith.constant 0 : i32
    %dma_start3A_560 = tpu.memref_slice %arg6[%add3A_553, %dma_start3A_559] : memref<83200x128xf32, #tpu.memory_space<hbm>> -> memref<40x128xf32, #tpu.memory_space<hbm>>
    %dma_start3A_561 = arith.constant 0 : i32
    %dma_start3A_562 = arith.constant 0 : i32
    %dma_start3A_563 = tpu.memref_slice %arg10[%dma_start3A_561, %dma_start3A_562] : memref<256x128xf32, #tpu.memory_space<vmem>> -> memref<40x128xf32, #tpu.memory_space<vmem>>
    tpu.enqueue_dma source(%dma_start3A_563 : memref<40x128xf32, #tpu.memory_space<vmem>>) target(%dma_start3A_560 : memref<40x128xf32, #tpu.memory_space<hbm>>) target_semaphore(%arg18 : memref<!tpu.dma_semaphore, #tpu.memory_space<semaphore_mem>>)
    %dma_wait3A_564 = arith.constant 0 : i32
    %dma_wait3A_565 = arith.constant 0 : i32
    %dma_wait3A_566 = tpu.memref_slice %arg9[%dma_wait3A_564, %dma_wait3A_565] : memref<256x128xf32, #tpu.memory_space<vmem>> -> memref<256x128xf32, #tpu.memory_space<vmem>>
    %dma_wait3A_567 = arith.constant 0 : i32
    %dma_wait3A_568 = tpu.memref_slice %arg6[%add3A_533, %dma_wait3A_567] : memref<83200x128xf32, #tpu.memory_space<hbm>> -> memref<256x128xf32, #tpu.memory_space<hbm>>
    %dma_wait3A_569 = arith.constant 0 : i32
    %dma_wait3A_570 = tpu.memref_slice %arg6[%add3A_533, %dma_wait3A_569] : memref<83200x128xf32, #tpu.memory_space<hbm>> -> memref<256x128xf32, #tpu.memory_space<hbm>>
    %dma_wait3A_571 = arith.constant 0 : i32
    %dma_wait3A_572 = arith.constant 0 : i32
    %dma_wait3A_573 = tpu.memref_slice %arg9[%dma_wait3A_571, %dma_wait3A_572] : memref<256x128xf32, #tpu.memory_space<vmem>> -> memref<256x128xf32, #tpu.memory_space<vmem>>
    tpu.wait_dma2 semaphore(%arg17 : memref<!tpu.dma_semaphore, #tpu.memory_space<semaphore_mem>>) src(%dma_wait3A_573 : memref<256x128xf32, #tpu.memory_space<vmem>>) dst(%dma_wait3A_570 : memref<256x128xf32, #tpu.memory_space<hbm>>)
    %dma_wait3A_574 = arith.constant 0 : i32
    %dma_wait3A_575 = arith.constant 0 : i32
    %dma_wait3A_576 = tpu.memref_slice %arg10[%dma_wait3A_574, %dma_wait3A_575] : memref<256x128xf32, #tpu.memory_space<vmem>> -> memref<40x128xf32, #tpu.memory_space<vmem>>
    %dma_wait3A_577 = arith.constant 0 : i32
    %dma_wait3A_578 = tpu.memref_slice %arg6[%add3A_553, %dma_wait3A_577] : memref<83200x128xf32, #tpu.memory_space<hbm>> -> memref<40x128xf32, #tpu.memory_space<hbm>>
    %dma_wait3A_579 = arith.constant 0 : i32
    %dma_wait3A_580 = tpu.memref_slice %arg6[%add3A_553, %dma_wait3A_579] : memref<83200x128xf32, #tpu.memory_space<hbm>> -> memref<40x128xf32, #tpu.memory_space<hbm>>
    %dma_wait3A_581 = arith.constant 0 : i32
    %dma_wait3A_582 = arith.constant 0 : i32
    %dma_wait3A_583 = tpu.memref_slice %arg10[%dma_wait3A_581, %dma_wait3A_582] : memref<256x128xf32, #tpu.memory_space<vmem>> -> memref<40x128xf32, #tpu.memory_space<vmem>>
    tpu.wait_dma2 semaphore(%arg18 : memref<!tpu.dma_semaphore, #tpu.memory_space<semaphore_mem>>) src(%dma_wait3A_583 : memref<40x128xf32, #tpu.memory_space<vmem>>) dst(%dma_wait3A_580 : memref<40x128xf32, #tpu.memory_space<hbm>>)
    %dma_wait3A_584 = arith.constant 0 : i32
    %dma_wait3A_585 = arith.constant 0 : i32
    %dma_wait3A_586 = tpu.memref_slice %arg11[%dma_wait3A_584, %dma_wait3A_585] : memref<256x128xf32, #tpu.memory_space<vmem>> -> memref<256x128xf32, #tpu.memory_space<vmem>>
    %dma_wait3A_587 = arith.constant 0 : i32
    %dma_wait3A_588 = tpu.memref_slice %arg6[%add3A_505, %dma_wait3A_587] : memref<83200x128xf32, #tpu.memory_space<hbm>> -> memref<256x128xf32, #tpu.memory_space<hbm>>
    %dma_wait3A_589 = arith.constant 0 : i32
    %dma_wait3A_590 = tpu.memref_slice %arg6[%add3A_505, %dma_wait3A_589] : memref<83200x128xf32, #tpu.memory_space<hbm>> -> memref<256x128xf32, #tpu.memory_space<hbm>>
    %dma_wait3A_591 = arith.constant 0 : i32
    %dma_wait3A_592 = arith.constant 0 : i32
    %dma_wait3A_593 = tpu.memref_slice %arg11[%dma_wait3A_591, %dma_wait3A_592] : memref<256x128xf32, #tpu.memory_space<vmem>> -> memref<256x128xf32, #tpu.memory_space<vmem>>
    tpu.wait_dma2 semaphore(%arg19 : memref<!tpu.dma_semaphore, #tpu.memory_space<semaphore_mem>>) src(%dma_wait3A_593 : memref<256x128xf32, #tpu.memory_space<vmem>>) dst(%dma_wait3A_590 : memref<256x128xf32, #tpu.memory_space<hbm>>)
    %dma_wait3A_594 = arith.constant 0 : i32
    %dma_wait3A_595 = arith.constant 0 : i32
    %dma_wait3A_596 = tpu.memref_slice %arg3[%dma_wait3A_594, %dma_wait3A_595] : memref<100000x128xf32, #tpu.memory_space<hbm>> -> memref<100000x128xf32, #tpu.memory_space<hbm>>
    tpu.wait_indirect_dma semaphore(%arg20 : memref<!tpu.dma_semaphore, #tpu.memory_space<semaphore_mem>>) src(%dma_wait3A_596 : memref<100000x128xf32, #tpu.memory_space<hbm>>) dst(%arg13 : memref<32x128xf32, #tpu.memory_space<vmem>>)
    %dma_start3A_597 = arith.constant 0 : i32
    %dma_start3A_598 = tpu.memref_slice %arg7[%mul3A_4, %dma_start3A_597] : memref<1024x128xf32, #tpu.memory_space<hbm>> -> memref<32x128xf32, #tpu.memory_space<hbm>>
    %dma_start3A_599 = arith.constant 0 : i32
    %dma_start3A_600 = tpu.memref_slice %arg7[%mul3A_4, %dma_start3A_599] : memref<1024x128xf32, #tpu.memory_space<hbm>> -> memref<32x128xf32, #tpu.memory_space<hbm>>
    tpu.enqueue_dma source(%arg13 : memref<32x128xf32, #tpu.memory_space<vmem>>) target(%dma_start3A_600 : memref<32x128xf32, #tpu.memory_space<hbm>>) target_semaphore(%arg20 : memref<!tpu.dma_semaphore, #tpu.memory_space<semaphore_mem>>)
    %dma_wait3A_601 = arith.constant 0 : i32
    %dma_wait3A_602 = tpu.memref_slice %arg7[%mul3A_4, %dma_wait3A_601] : memref<1024x128xf32, #tpu.memory_space<hbm>> -> memref<32x128xf32, #tpu.memory_space<hbm>>
    %dma_wait3A_603 = arith.constant 0 : i32
    %dma_wait3A_604 = tpu.memref_slice %arg7[%mul3A_4, %dma_wait3A_603] : memref<1024x128xf32, #tpu.memory_space<hbm>> -> memref<32x128xf32, #tpu.memory_space<hbm>>
    tpu.wait_dma2 semaphore(%arg20 : memref<!tpu.dma_semaphore, #tpu.memory_space<semaphore_mem>>) src(%arg13 : memref<32x128xf32, #tpu.memory_space<vmem>>) dst(%dma_wait3A_604 : memref<32x128xf32, #tpu.memory_space<hbm>>)
    return
  }
}

module attributes {stable_mosaic.version = 14 : i64} {
  func.func @_tc_body(%arg0: i32, %arg1: memref<20480x128xf32, #tpu.memory_space<vmem>>, %arg2: memref<256x128xf32, #tpu.memory_space<vmem>>, %arg3: memref<256x128xf32, #tpu.memory_space<vmem>>, %arg4: memref<128x128xf32, #tpu.memory_space<vmem>>, %arg5: memref<128x128xf32, #tpu.memory_space<vmem>>, %arg6: memref<1x128xf32, #tpu.memory_space<vmem>>, %arg7: memref<128x128xf32, #tpu.memory_space<vmem>>, %arg8: memref<256x1xf32, #tpu.memory_space<vmem>>) attributes {dimension_semantics = [#tpu.dimension_semantics<arbitrary>], iteration_bounds = array<i64: 4>, scalar_prefetch = 0 : i64, scratch_operands = 0 : i64, tpu.core_type = #tpu.core_type<tc>, window_params = [{transform_indices = @transform_0, window_bounds = array<i64: 20480, 128>}, {transform_indices = @transform_1, window_bounds = array<i64: 256, 128>}, {transform_indices = @transform_2, window_bounds = array<i64: 256, 128>}, {pipeline_mode = #tpu.pipeline_mode<synchronous>, transform_indices = @transform_3, window_bounds = array<i64: 128, 128>}, {pipeline_mode = #tpu.pipeline_mode<synchronous>, transform_indices = @transform_4, window_bounds = array<i64: 128, 128>}, {pipeline_mode = #tpu.pipeline_mode<synchronous>, transform_indices = @transform_5, window_bounds = array<i64: 1, 128>}, {pipeline_mode = #tpu.pipeline_mode<synchronous>, transform_indices = @transform_6, window_bounds = array<i64: 128, 128>}, {transform_indices = @transform_7, window_bounds = array<i64: 256, 1>}]} {
    %get3A = arith.constant 0 : index
    %get3A_0 = arith.constant 0 : index
    %get3A_1 = vector.load %arg3[%get3A, %get3A_0] : memref<256x128xf32, #tpu.memory_space<vmem>>, vector<256x128xf32>
    %get3A_2 = arith.constant 0 : index
    %get3A_3 = arith.constant 0 : index
    %get3A_4 = vector.load %arg4[%get3A_2, %get3A_3] : memref<128x128xf32, #tpu.memory_space<vmem>>, vector<128x128xf32>
    %dot_general3A = arith.constant dense<0.000000e+00> : vector<256x128xf32>
    %dot_general3A_5 = tpu.matmul %get3A_1, %get3A_4, %dot_general3A {dimension_numbers = #tpu.dot_dimension_numbers<[1], [0], [0], [1], [0, 0, 1, 1], [], []>, transpose_lhs_hint = false} : vector<256x128xf32>, vector<128x128xf32>, vector<256x128xf32> -> vector<256x128xf32>
    %get3A_6 = arith.constant 0 : index
    %get3A_7 = arith.constant 0 : index
    %get3A_8 = vector.load %arg6[%get3A_6, %get3A_7] : memref<1x128xf32, #tpu.memory_space<vmem>>, vector<1x128xf32>
    %add3A = vector.broadcast %get3A_8 : vector<1x128xf32> to vector<256x128xf32>
    %add3A_9 = arith.addf %dot_general3A_5, %add3A : vector<256x128xf32>
    %get3A_10 = arith.constant 0 : index
    %get3A_11 = arith.constant 0 : index
    %get3A_12 = vector.load %arg1[%get3A_10, %get3A_11] : memref<20480x128xf32, #tpu.memory_space<vmem>>, vector<20480x128xf32>
    %get3A_13 = arith.constant 0 : index
    %get3A_14 = arith.constant 0 : index
    %get3A_15 = vector.load %arg5[%get3A_13, %get3A_14] : memref<128x128xf32, #tpu.memory_space<vmem>>, vector<128x128xf32>
    %dot_general3A_16 = arith.constant dense<0.000000e+00> : vector<20480x128xf32>
    %dot_general3A_17 = tpu.matmul %get3A_12, %get3A_15, %dot_general3A_16 {dimension_numbers = #tpu.dot_dimension_numbers<[1], [0], [0], [1], [0, 0, 1, 1], [], []>, transpose_lhs_hint = false} : vector<20480x128xf32>, vector<128x128xf32>, vector<20480x128xf32> -> vector<20480x128xf32>
    %reshape3A = vector.shape_cast %dot_general3A_17 : vector<20480x128xf32> to vector<256x80x128xf32>
    %broadcast_in_dim3A = vector.shape_cast %add3A_9 : vector<256x128xf32> to vector<256x1x128xf32>
    %add3A_18 = vector.broadcast %broadcast_in_dim3A : vector<256x1x128xf32> to vector<256x80x128xf32>
    %add3A_19 = arith.addf %reshape3A, %add3A_18 : vector<256x80x128xf32>
    %max3A = arith.constant 0.000000e+00 : f32
    %max3A_20 = vector.broadcast %max3A : f32 to vector<256x80x128xf32>
    %max3A_21 = arith.maximumf %add3A_19, %max3A_20 : vector<256x80x128xf32>
    %reshape3A_22 = vector.shape_cast %max3A_21 : vector<256x80x128xf32> to vector<20480x128xf32>
    %get3A_23 = arith.constant 0 : index
    %get3A_24 = arith.constant 0 : index
    %get3A_25 = vector.load %arg7[%get3A_23, %get3A_24] : memref<128x128xf32, #tpu.memory_space<vmem>>, vector<128x128xf32>
    %dot_general3A_26 = arith.constant dense<0.000000e+00> : vector<20480x128xf32>
    %dot_general3A_27 = tpu.matmul %reshape3A_22, %get3A_25, %dot_general3A_26 {dimension_numbers = #tpu.dot_dimension_numbers<[1], [0], [0], [1], [0, 0, 1, 1], [], []>, transpose_lhs_hint = false} : vector<20480x128xf32>, vector<128x128xf32>, vector<20480x128xf32> -> vector<20480x128xf32>
    %reshape3A_28 = vector.shape_cast %dot_general3A_27 : vector<20480x128xf32> to vector<256x80x128xf32>
    %exp3A = math.exp %reshape3A_28 : vector<256x80x128xf32>
    %reshape3A_29 = vector.shape_cast %get3A_12 : vector<20480x128xf32> to vector<256x80x128xf32>
    %slice3A = vector.extract_strided_slice %exp3A {offsets = [0, 0, 0], sizes = [256, 50, 128], strides = [1, 1, 1]} : vector<256x80x128xf32> to vector<256x50x128xf32>
    %reduce_sum3A = arith.constant dense<0.000000e+00> : vector<256x128xf32>
    %reduce_sum3A_30 = vector.multi_reduction <add>, %slice3A, %reduce_sum3A [1] : vector<256x50x128xf32> to vector<256x128xf32>
    %slice3A_31 = vector.extract_strided_slice %reshape3A_29 {offsets = [0, 0, 0], sizes = [256, 50, 128], strides = [1, 1, 1]} : vector<256x80x128xf32> to vector<256x50x128xf32>
    %mul3A = arith.mulf %slice3A, %slice3A_31 : vector<256x50x128xf32>
    %reduce_sum3A_32 = arith.constant dense<0.000000e+00> : vector<256x128xf32>
    %reduce_sum3A_33 = vector.multi_reduction <add>, %mul3A, %reduce_sum3A_32 [1] : vector<256x50x128xf32> to vector<256x128xf32>
    %div3A = arith.divf %reduce_sum3A_33, %reduce_sum3A_30 : vector<256x128xf32>
    %get3A_34 = arith.constant 0 : index
    %get3A_35 = arith.constant 0 : index
    %get3A_36 = vector.load %arg5[%get3A_34, %get3A_35] : memref<128x128xf32, #tpu.memory_space<vmem>>, vector<128x128xf32>
    %dot_general3A_37 = arith.constant dense<0.000000e+00> : vector<256x128xf32>
    %dot_general3A_38 = tpu.matmul %div3A, %get3A_36, %dot_general3A_37 {dimension_numbers = #tpu.dot_dimension_numbers<[1], [0], [0], [1], [0, 0, 1, 1], [], []>, transpose_lhs_hint = false} : vector<256x128xf32>, vector<128x128xf32>, vector<256x128xf32> -> vector<256x128xf32>
    %add3A_39 = arith.addf %add3A_9, %dot_general3A_38 : vector<256x128xf32>
    %max3A_40 = arith.constant 0.000000e+00 : f32
    %max3A_41 = vector.broadcast %max3A_40 : f32 to vector<256x128xf32>
    %max3A_42 = arith.maximumf %add3A_39, %max3A_41 : vector<256x128xf32>
    %get3A_43 = arith.constant 0 : index
    %get3A_44 = arith.constant 0 : index
    %get3A_45 = vector.load %arg7[%get3A_43, %get3A_44] : memref<128x128xf32, #tpu.memory_space<vmem>>, vector<128x128xf32>
    %dot_general3A_46 = arith.constant dense<0.000000e+00> : vector<256x128xf32>
    %dot_general3A_47 = tpu.matmul %max3A_42, %get3A_45, %dot_general3A_46 {dimension_numbers = #tpu.dot_dimension_numbers<[1], [0], [0], [1], [0, 0, 1, 1], [], []>, transpose_lhs_hint = false} : vector<256x128xf32>, vector<128x128xf32>, vector<256x128xf32> -> vector<256x128xf32>
    %exp3A_48 = math.exp %dot_general3A_47 : vector<256x128xf32>
    %slice3A_49 = vector.extract_strided_slice %exp3A {offsets = [0, 56, 0], sizes = [256, 20, 128], strides = [1, 1, 1]} : vector<256x80x128xf32> to vector<256x20x128xf32>
    %reduce_sum3A_50 = arith.constant dense<0.000000e+00> : vector<256x128xf32>
    %reduce_sum3A_51 = vector.multi_reduction <add>, %slice3A_49, %reduce_sum3A_50 [1] : vector<256x20x128xf32> to vector<256x128xf32>
    %add3A_52 = arith.addf %exp3A_48, %reduce_sum3A_51 : vector<256x128xf32>
    %mul3A_53 = arith.mulf %exp3A_48, %div3A : vector<256x128xf32>
    %slice3A_54 = vector.extract_strided_slice %reshape3A_29 {offsets = [0, 56, 0], sizes = [256, 20, 128], strides = [1, 1, 1]} : vector<256x80x128xf32> to vector<256x20x128xf32>
    %mul3A_55 = arith.mulf %slice3A_49, %slice3A_54 : vector<256x20x128xf32>
    %reduce_sum3A_56 = arith.constant dense<0.000000e+00> : vector<256x128xf32>
    %reduce_sum3A_57 = vector.multi_reduction <add>, %mul3A_55, %reduce_sum3A_56 [1] : vector<256x20x128xf32> to vector<256x128xf32>
    %add3A_58 = arith.addf %mul3A_53, %reduce_sum3A_57 : vector<256x128xf32>
    %div3A_59 = arith.divf %add3A_58, %add3A_52 : vector<256x128xf32>
    %get3A_60 = arith.constant 0 : index
    %get3A_61 = arith.constant 0 : index
    %get3A_62 = vector.load %arg2[%get3A_60, %get3A_61] : memref<256x128xf32, #tpu.memory_space<vmem>>, vector<256x128xf32>
    %mul3A_63 = arith.mulf %div3A_59, %get3A_62 : vector<256x128xf32>
    %reduce_sum3A_64 = arith.constant dense<0.000000e+00> : vector<256xf32>
    %reduce_sum3A_65 = vector.multi_reduction <add>, %mul3A_63, %reduce_sum3A_64 [1] : vector<256x128xf32> to vector<256xf32>
    %broadcast_in_dim3A_66 = vector.shape_cast %reduce_sum3A_65 : vector<256xf32> to vector<256x1xf32>
    %swap3A = arith.constant 0 : index
    %swap3A_67 = arith.constant 0 : index
    %swap3A_68 = vector.load %arg8[%swap3A, %swap3A_67] : memref<256x1xf32, #tpu.memory_space<vmem>>, vector<256x1xf32>
    tpu.vector_store %arg8[%swap3A, %swap3A_67], %broadcast_in_dim3A_66 {strides = array<i32>} : memref<256x1xf32, #tpu.memory_space<vmem>>, vector<256x1xf32>,
    return
  }
  func.func @transform_0(%arg0: i32) -> (i32, i32) {
    %c0_i32 = arith.constant 0 : i32
    %c0_i32_0 = arith.constant 0 : i32
    return %arg0, %c0_i32 : i32, i32
  }
  func.func @transform_1(%arg0: i32) -> (i32, i32) {
    %add3A = arith.constant 320 : i32
    %add3A_0 = arith.addi %add3A, %arg0 : i32
    %c0_i32 = arith.constant 0 : i32
    %c0_i32_1 = arith.constant 0 : i32
    return %add3A_0, %c0_i32 : i32, i32
  }
  func.func @transform_2(%arg0: i32) -> (i32, i32) {
    %c0_i32 = arith.constant 0 : i32
    %c0_i32_0 = arith.constant 0 : i32
    return %arg0, %c0_i32 : i32, i32
  }
  func.func @transform_3(%arg0: i32) -> (i32, i32) {
    %c0_i32 = arith.constant 0 : i32
    %c0_i32_0 = arith.constant 0 : i32
    %c0_i32_1 = arith.constant 0 : i32
    return %c0_i32, %c0_i32_0 : i32, i32
  }
  func.func @transform_4(%arg0: i32) -> (i32, i32) {
    %c0_i32 = arith.constant 0 : i32
    %c0_i32_0 = arith.constant 0 : i32
    %c0_i32_1 = arith.constant 0 : i32
    return %c0_i32, %c0_i32_0 : i32, i32
  }
  func.func @transform_5(%arg0: i32) -> (i32, i32) {
    %c0_i32 = arith.constant 0 : i32
    %c0_i32_0 = arith.constant 0 : i32
    %c0_i32_1 = arith.constant 0 : i32
    return %c0_i32, %c0_i32_0 : i32, i32
  }
  func.func @transform_6(%arg0: i32) -> (i32, i32) {
    %c0_i32 = arith.constant 0 : i32
    %c0_i32_0 = arith.constant 0 : i32
    %c0_i32_1 = arith.constant 0 : i32
    return %c0_i32, %c0_i32_0 : i32, i32
  }
  func.func @transform_7(%arg0: i32) -> (i32, i32) {
    %c0_i32 = arith.constant 0 : i32
    %c0_i32_0 = arith.constant 0 : i32
    return %arg0, %c0_i32 : i32, i32
  }
}

</mosaic_0001>

<sc_bundles>
// kernel: kernel.4.cloned.1.call-start
scs
__scs_entry_jumppad:
0x0: {  	(pc) =	sbr.rel $0x88, $3  }
0x1: {  	(tag) =	ssettag $0x0;
	lr =	simm.s32 $0x1  }
0x2: {  	[smem:$0x3F98] =	sst lr;
	_ =	strace $0xD0000000  }
0x3: {  	_ = 	snop  }
0x4: {  	_ = 	snop  }
0x5: {  	_ = 	snop  }
0x6: {  	_ = 	snop  }
0x7: {  	_ = 	snop  }
__scs_overlays_trampoline_lowered:
0x8: {  	[smem:$0x3FA7] =	sst s0  }
0x9: {  	[smem:$0x3FA8] =	sst s1  }
0xa: {  	[smem:$0x3FA9] =	sst s2  }
0xb: {  	[smem:$0x3FAA] =	sst s3  }
0xc: {  	[smem:$0x3FAB] =	sst s4  }
0xd: {  	[smem:$0x3FAC] =	sst s5  }
0xe: {  	[smem:$0x3FAD] =	sst s6  }
0xf: {  	[smem:$0x3FAE] =	sst s7  }
0x10: {  	[smem:$0x3FAF] =	sst s8  }
0x11: {  	[smem:$0x3FB0] =	sst s9;
	s0 =	simm.s32 @!p0 $0x0  }
0x12: {  	s1 =	sld [smem:$0x3F96];
	s0 =	simm.s32 @p0 $0x1  }
0x13: {  	[smem:$0x3FB1] =	sst s0;
	s0 =	simm.s32 @!p1 $0x0  }
0x14: {  	s2 =	sld [smem:$0x3F95];
	s0 =	simm.s32 @p1 $0x1  }
0x15: {  	[smem:$0x3FB2] =	sst s0;
	s0 =	simm.s32 @!p2 $0x0  }
0x16: {  	s3 =	sld [smem:$0x3FDB];
	s0 =	simm.s32 @p2 $0x1  }
0x17: {  	s4 =	simm.s32 $0x1BF5;
	[smem:$0x3FB4] =	sst s0  }
0x18: {  	s0 =	sld [smem:$0x3F97];
	_ =	swait.ge [sflag:s4], $0x0  }
0x19: {  	s7 =	sld [smem:$0x3F98]  }
0x1a: {  	s8 =	sadd.s32 $0xFFFFE003, lr  }
0x1b: {  	s9 =	sadd.s32 $0xFFFFFEF7, lr;
	s5 =	simm.s32 $0xFFFFFFFF;
	p2 =	slt.u32 s8, $0xFFFFF086  }
0x1c: {  	p1 =	slt.u32 s9, $0xF7A;
	s5 =	simm.s32 @!p2 $0x0  }
0x1d: {  	s5 =	simm.s32 @p1 $0x1;
	p0 =	seq.s32 s7, s2  }
0x1e: {  	s7 =	smul.u32 @!p0 $0xF7A, s2;
	p2 =	seq.s32 @!p0 s5, $0x0  }
0x1f: {  	s9 =	smul.u32 $0xF7A, s1;
	s8 =	simm.s32 @!p0 $0x1BF5;
	p2 =	por !p2, p0  }
0x20: {  	[sflag:s8] =	ssyncset.s32 @!p0 $0xFFFFF086;
	s6 =	sadd.s32 @!p0 s3, s7;
	s7 =	simm.s32 @!p0 $0x108  }
0x21: {  	s3 =	sadd.s32 s3, s9;
	s6 =	sadd.s32 @!p0 $0x88, s6;
	s7 =	simm.s32 @p2 $0x1082  }
0x22: {  	[simem:s7], [sflag:s8] =	dma.local @!p0 [hbm:s6], $0xF7A  }
0x23: {  	s9 =	sor.u32 $0xD0000000, s2;
	s6 =	simm.s32 $0x108;
	_ =	swait.ge @!p0 [sflag:s8], $0x0  }
0x24: {  	s3 =	sadd.s32 $0x88, s3;
	s6 =	simm.s32 @!p1 $0x1082;
	[sflag:s4] =	ssyncset.s32 $0xFFFFF086  }
0x25: {  	[simem:s6], [sflag:s4] =	dma.local [hbm:s3], $0xF7A  }
0x26: {  	[smem:$0x3F98] =	sst s1;
	(tag) =	ssettag s2;
	_ =	strace s9  }
0x27: {  	s1 =	sld [smem:$0x3FA8]  }
0x28: {  	s2 =	sld [smem:$0x3FA9]  }
0x29: {  	s4 =	sld [smem:$0x3FAB]  }
0x2a: {  	p0 =	seq.s32 s5, $0x0;
	s5 =	sld [smem:$0x3FAC]  }
0x2b: {  	s6 =	sld [smem:$0x3FAD]  }
0x2c: {  	s7 =	sld [smem:$0x3FAE]  }
0x2d: {  	s3 =	simm.s32 $0x108;
	s8 =	sld [smem:$0x3FAF]  }
0x2e: {  	s3 =	simm.s32 @!p0 $0x1082;
	s9 =	sld [smem:$0x3FB0]  }
0x2f: {  	lr =	sadd.s32 s0, s3;
	s0 =	sld [smem:$0x3FA7]  }
0x30: {  	s3 =	sld [smem:$0x3FAA]  }
0x31: {  	[smem:$0x3FB3] =	sst s10  }
0x32: {  	s10 =	sld [smem:$0x3FB1];
	_ =	sdelay $0x3  }
0x33: {  	p0 =	seq.s32 s10, $0x1;
	s10 =	sld [smem:$0x3FB3];
	_ =	sdelay $0x3  }
0x34: {  	[smem:$0x3FB3] =	sst s10  }
0x35: {  	s10 =	sld [smem:$0x3FB2];
	_ =	sdelay $0x3  }
0x36: {  	p1 =	seq.s32 s10, $0x1;
	s10 =	sld [smem:$0x3FB3];
	_ =	sdelay $0x3  }
0x37: {  	[smem:$0x3FB3] =	sst s10  }
0x38: {  	s10 =	sld [smem:$0x3FB4]  }
0x39: {  	_ = 	snop;
	(pc) =	sbr.ind lr, $3  }
0x3a: {  	_ = 	snop  }
0x3b: {  	_ = 	snop  }
0x3c: {  	p2 =	seq.s32 s10, $0x1;
	s10 =	sld [smem:$0x3FB3]  }
0x3d: {  	_ =	shalt  }
0x3e: {  	_ =	shalt  }
0x3f: {  	_ =	shalt  }
0x40: {  	_ =	shalt  }
0x41: {  	_ =	shalt  }
0x42: {  	_ =	shalt  }
0x43: {  	_ =	shalt  }
0x44: {  	_ =	shalt  }
0x45: {  	_ =	shalt  }
0x46: {  	_ =	shalt  }
0x47: {  	_ =	shalt  }
0x48: {  	_ =	shalt  }
0x49: {  	_ =	shalt  }
0x4a: {  	_ =	shalt  }
0x4b: {  	_ =	shalt  }
0x4c: {  	_ =	shalt  }
0x4d: {  	_ =	shalt  }
0x4e: {  	_ =	shalt  }
0x4f: {  	_ =	shalt  }
0x50: {  	_ =	shalt  }
0x51: {  	_ =	shalt  }
0x52: {  	_ =	shalt  }
0x53: {  	_ =	shalt  }
0x54: {  	_ =	shalt  }
0x55: {  	_ =	shalt  }
0x56: {  	_ =	shalt  }
0x57: {  	_ =	shalt  }
0x58: {  	_ =	shalt  }
0x59: {  	_ =	shalt  }
0x5a: {  	_ =	shalt  }
0x5b: {  	_ =	shalt  }
0x5c: {  	_ =	shalt  }
0x5d: {  	_ =	shalt  }
0x5e: {  	_ =	shalt  }
0x5f: {  	_ =	shalt  }
0x60: {  	_ =	shalt  }
0x61: {  	_ =	shalt  }
0x62: {  	_ =	shalt  }
0x63: {  	_ =	shalt  }
0x64: {  	_ =	shalt  }
0x65: {  	_ =	shalt  }
0x66: {  	_ =	shalt  }
0x67: {  	_ =	shalt  }
0x68: {  	_ =	shalt  }
0x69: {  	_ =	shalt  }
0x6a: {  	_ =	shalt  }
0x6b: {  	_ =	shalt  }
0x6c: {  	_ =	shalt  }
0x6d: {  	_ =	shalt  }
0x6e: {  	_ =	shalt  }
0x6f: {  	_ =	shalt  }
0x70: {  	_ =	shalt  }
0x71: {  	_ =	shalt  }
0x72: {  	_ =	shalt  }
0x73: {  	_ =	shalt  }
0x74: {  	_ =	shalt  }
0x75: {  	_ =	shalt  }
0x76: {  	_ =	shalt  }
0x77: {  	_ =	shalt  }
0x78: {  	_ =	shalt  }
0x79: {  	_ =	shalt  }
0x7a: {  	_ =	shalt  }
0x7b: {  	_ =	shalt  }
0x7c: {  	_ =	shalt  }
0x7d: {  	_ =	shalt  }
0x7e: {  	_ =	shalt  }
0x7f: {  	_ =	shalt  }
0x80: {  	_ =	shalt  }
0x81: {  	_ =	shalt  }
0x82: {  	_ =	shalt  }
0x83: {  	_ =	shalt  }
0x84: {  	_ =	shalt  }
0x85: {  	_ =	shalt  }
0x86: {  	_ =	shalt  }
0x87: {  	_ =	shalt  }
.Lfunc_end0:
.L_simem_size_0:
called_computation_lowered:
.L_overlay_start_0:
0x88: {  	s2 =	sld [smem:$0x3FD9]  }
0x89: {  	s3 =	sld [smem:$0x3FFE];
	_ =	sdelay $0x1  }
0x8a: {  	s1 =	srdreg.scid  }
0x8b: {  	s0 =	sand.u32 $0x1, s1  }
0x8c: {  	s17 =	sshll.u32 s0, $0xA;
	s2 =	sadd.s32 s3, s2  }
0x8d: {  	s2 =	sadd.s32 s2, s17  }
0x8e: {  	[smem:$0x3FBF] =	sst s2  }
0x8f: {  	_ = 	snop  }
0x90: {  	s2 =	sld [smem:$0x3FC9]  }
0x91: {  	s18 =	sld [smem:$0x3FC8]  }
0x92: {  	s4 =	sld [smem:$0x3FC4];
	(tm) =	ssettm $0x1  }
0x93: {  	s5 =	sld [smem:$0x3FFB];
	_ =	sdelay $0x3  }
0x94: {  	_ =	strace s5  }
0x95: {  	s5 =	sld [smem:$0x3FFC];
	_ =	sdelay $0x3  }
0x96: {  	_ =	strace s5  }
0x97: {  	s5 =	sld [smem:$0x3FFD];
	_ =	sdelay $0x3  }
0x98: {  	_ =	strace s5  }
0x99: {  	_ =	strace $0x8FFFFFFF  }
0x9a: {  	s19 =	sld [smem:$0x3FDB];
	_ =	sdelay $0x1  }
0x9b: {  	s6 =	simm.s32 $_scs_section_size  }
0x9c: {  	s7 =	simm.s32 $_size__tile_overlayer_lowered;
	s8 =	simm.s32 $_tile_overlayer_lowered  }
0x9d: {  	s22 =	simm.s32 $0x1BFF;
	s21 =	sshll.u32 s8, $0x1;
	s5 =	sadd.s32 s6, s19  }
0x9e: {  	s9 =	simm.s32 $0x0;
	s20 =	sshll.u32 s7, $0x1;
	s7 =	sadd.s32 s21, s5  }
0x9f: {  	[timem:s9], [sflag:s22] =	dma.local [hbm:s7], s20  }
0xa0: {  	_ =	swait.ge [sflag:s22], s20  }
0xa1: {  	s6 =	ssub.s32 $0x0, s20;
	[sflag:s22] =	ssyncset.done $0x0  }
0xa2: {  	[sflag:s22] =	ssyncadd.s32 s6;
	_ =	sdelay $0x1  }
0xa3: {  	s23 =	simm.s32 $0x1B8B  }
0xa4: {  	_ =	swait.ge [sflag:s23], $0x1  }
0xa5: {  	[sflag:s23] =	ssyncset.done $0x0  }
0xa6: {  	s25 =	simm.s32 $0x1B8E;
	s24 =	sld [smem:$0x3FFE];
	[sflag:s23] =	ssyncadd.s32 $0xFFFFFFFF  }
0xa7: {  	s26 =	simm.s32 $execute0_lowered;
	[smem:$0x3FD2] =	sst s25  }
0xa8: {  	s7 =	sshll.u32 s26, $0x1;
	_ =	strace $0x80000046;
	[dreg:$0x1] =	wrdreg $0xFFFFFFFF  }
0xa9: {  	s28 =	simm.s32 $_size_execute0_lowered;
	s5 =	sadd.s32 s5, s7;
	[dreg:$0x0] =	wrdreg $0x0  }
0xaa: {  	s7 =	sshll.u32 s28, $0x1;
	[dreg:$0x2] =	wrdreg s5  }
0xab: {  	[dreg:$0x3] =	wrdreg s7  }
0xac: {  	[dreg:$0x4] =	wrdreg $0xC0  }
0xad: {  	_ =	task [dreg:s9], $0x5FFFF  }
0xae: {  	[dreg:$0x1] =	wrdreg $0xFFFFFFFF  }
0xaf: {  	[dreg:$0x0] =	wrdreg $0x60  }
0xb0: {  	[dreg:$0x2] =	wrdreg s18  }
0xb1: {  	[dreg:$0x3] =	wrdreg s2  }
0xb2: {  	[dreg:$0x4] =	wrdreg s24  }
0xb3: {  	[dreg:$0x5] =	wrdreg s4  }
0xb4: {  	[dreg:$0x6] =	wrdreg $0x9  }
0xb5: {  	_ =	task.clear_ibuf [dreg:s9], $0x7FFFF;
	_ =	strace $0x90000046  }
0xb6: {  	s29 =	simm.s32 $0x9;
	_ =	strace $0x80000048  }
0xb7: {  	_ =	swait.ge [sflag:s29], $0x1  }
0xb8: {  	[sflag:s29] =	ssyncadd.s32 $0xFFFFFFFF  }
0xb9: {  	_ =	strace $0x90000048  }
0xba: {  	_ =	sfence  }
0xbb: {  	s30 =	sld [smem:$0x0];
	_ =	sdelay $0x2  }
0xbc: {  	s31 =	sshll.u32 s1, $0xD;
	s1 =	sshrl.u32 s1, $0x2  }
0xbd: {  	s3 =	sand.u32 $0x4000, s31;
	s1 =	sadd.s32 s1, s30  }
0xbe: {  	s0 =	sor.u32 s3, s0;
	s1 =	sshll.u32 s1, $0x11  }
0xbf: {  	s0 =	sor.u32 s1, s0  }
0xc0: {  	s0 =	sadd.s32 $0x8F2B, s0  }
0xc1: {  	[sflag:s0] =	ssyncadd.remote.s32 $0x1  }
0xc2: {  	_ =	sfence.sel $0xFFFF  }
0xc3: {  	[dreg:$0x0] =	wrdreg $0xFFFFFFFF;
	(pc) =	sbr.abs _section_cstart, $3  }
0xc4: {  	[dreg:$0x1] =	wrdreg $0xFFFFFFFF  }
0xc5: {  	_ =	task.clear_ibuf [dreg:s9], $0x2FFFF;
	_ =	strace $0x9FFFFFFF  }
0xc6: {  	(tm) =	ssettm $0x7FFFFFFF  }
0xc7: {  	_ =	shalt  }
tec
execute0_lowered:
.L_overlay_start_1:
0x0: {  	(tag) =	ssettag $0x1  }
0x1: {  	s3 =	rddreg [dreg:$0x0]  }
0x2: {  	s0 =	rddreg [dreg:$0x1]  }
0x3: {  	s1 =	rddreg [dreg:$0x2]  }
0x4: {  	s2 =	srdreg.scid;
	s4 =	rddreg [dreg:$0x3]  }
0x5: {  	s19 =	stileid.u32;
	s21 =	rddreg [dreg:$0x4];
	s30 =	simm.s32 $0x18A80  }
0x6: {  	s31 =	simm.s32 $0x8;
	s28 =	simm.s32 $0x600;
	s29 =	simm.s32 $0x680  }
0x7: {  	p0 =	por $0x0, $0x0;
	s5 =	sand.u32 $0x1, s2;
	s6 =	sshll.u32 s19, $0x1  }
0x8: {  	[dreg:$0x5] =	wrdreg s0;
	s2 =	simm.s32 $0x0;
	s6 =	sor.u32 s5, s6  }
0x9: {  	s8 =	sadd.s32 $0x7200, s1;
	[smem:$0x7FF] =	sst s2;
	s7 =	smul.u32 $0x145, s6  }
0xa: {  	s5 =	ssub.s32 $0x2, s5;
	_ =	strace $0x80000047;
	s9 =	smul.u32 $0x51400, s6  }
0xb: {  	s10 =	sshll.u32 s6, $0x2;
	s11 =	smul.u32 $0xA280, s6;
	s25 =	sshrl.u32 s5, $0x1  }
0xc: {  	s6 =	sshll.u32 s6, $0x9;
	s4 =	sadd.s32 s4, s10;
	s5 =	ssub.s32 s5, s25  }
0xd: {  	s10 =	simm.s32 $0x1;
	s25 =	simm.s32 $0x480;
	[dreg:$0x7] =	wrdreg s4  }
0xe: {  	s7 =	sadd.s32 s7, s1;
	s13 =	sadd.s32 s8, s11;
	[dreg:$0x1c] =	wrdreg s25  }
0xf: {  	s1 =	sadd.s32 s6, s1;
	s7 =	sadd.s32 $0x800, s7;
	[dreg:$0x8] =	wrdreg s13  }
0x10: {  	s12 =	sshrl.u32 s9, $0x3;
	s1 =	sadd.s32 $0x3200, s1;
	[dreg:$0x6] =	wrdreg s7  }
0x11: {  	s0 =	smax.u32 s5, $0x1;
	s13 =	simm.s32 $0x100;
	[dreg:$0x13] =	wrdreg s1  }
0x12: {  	s7 =	sadd.s32 s8, s12;
	s12 =	simm.s32 $0x20;
	[dreg:$0x15] =	wrdreg s13  }
0x13: {  	s6 =	simm.s32 $0xA80;
	s14 =	sadd.s32 $0x1000, s7;
	[dreg:$0x14] =	wrdreg s12  }
0x14: {  	s4 =	simm.s32 $0x7;
	s15 =	sadd.s32 $0x2000, s7;
	[dreg:$0x9] =	wrdreg s14  }
0x15: {  	s5 =	simm.s32 $0x18B00;
	s16 =	sadd.s32 $0x3000, s7;
	[dreg:$0xa] =	wrdreg s15  }
0x16: {  	s9 =	simm.s32 $0x5;
	s17 =	sadd.s32 $0x4000, s7;
	[dreg:$0xb] =	wrdreg s16  }
0x17: {  	s11 =	simm.s32 $0x6;
	s18 =	sadd.s32 $0x5000, s7;
	[dreg:$0xc] =	wrdreg s17  }
0x18: {  	s25 =	simm.s32 $0x700;
	s20 =	sadd.s32 $0x6000, s7;
	[dreg:$0xd] =	wrdreg s18  }
0x19: {  	p1 =	sne.s32 s0, $0x1;
	s22 =	sadd.s32 $0x7000, s7;
	[dreg:$0xe] =	wrdreg s20  }
0x1a: {  	s0 =	sadd.s32 $0xFFFFFFFF, s0;
	s23 =	sadd.s32 $0x8000, s7;
	[dreg:$0xf] =	wrdreg s22  }
0x1b: {  	s13 =	simm.s32 $0x10A80;
	s24 =	sadd.s32 $0x9000, s7;
	[dreg:$0x10] =	wrdreg s23  }
0x1c: {  	s8 =	simm.s32 $0x4;
	s26 =	sadd.s32 $0xA000, s7;
	[dreg:$0x11] =	wrdreg s24  }
0x1d: {  	s7 =	simm.s32 $0x8A80;
	[dreg:$0x12] =	wrdreg s26;
	s16 =	simm.s32 $0x180  }
0x1e: {  	s12 =	simm.s32 $0x2;
	s17 =	simm.s32 $0x200;
	[dreg:$0x16] =	wrdreg s16  }
0x1f: {  	s14 =	simm.s32 $0x80;
	s18 =	simm.s32 $0x280;
	[dreg:$0x17] =	wrdreg s17  }
0x20: {  	s15 =	simm.s32 $0x4A80;
	s22 =	simm.s32 $0x300;
	[dreg:$0x18] =	wrdreg s18  }
0x21: {  	s20 =	simm.s32 $0xCA80;
	s23 =	simm.s32 $0x380;
	[dreg:$0x19] =	wrdreg s22  }
.Ltmp0:
0x22: {  	s24 =	simm.s32 $0x400;
	[dreg:$0x1a] =	wrdreg s23;
	(pc) =	sbr.rel @!p1 .LBB2_5-.Ltmp0, $4  }
0x23: {  	s26 =	simm.s32 $0x500;
	s17 =	simm.s32 $0x14A80;
	[dreg:$0x1b] =	wrdreg s24  }
0x24: {  	s16 =	simm.s32 $0x3;
	[dreg:$0x1d] =	wrdreg s26;
	s18 =	simm.s32 $0x580  }
0x25: {  	s26 =	simm.s32 $0x780;
	s23 =	simm.s32 $0x800;
	s24 =	simm.s32 $0x880  }
0x26: {  	s22 =	simm.s32 $0x980;
	[dreg:$0x1e] =	wrdreg s18;
	s18 =	simm.s32 $0x28  }
0x27: {  	s21 =	rddreg [dreg:$0x6]  }
0x28: {  	[tilespmem:s2], [sflag:$0x8] =	stream.linear.gather [hbm4b:s21+s2], $0xA28, $0x38;
	[tilespmem:$0x19B00] =	vst v63  }
0x29: {  	s1 =	rddreg [dreg:$0x7]  }
0x2a: {  	[tilespmem:s30], [sflag:$0x7] =	stream.linear.gather [hbm4b:s1+s2], $0x20, $0x38;
	[tilespmem:$0x19B00] =	vst v63  }
0x2b: {  	_ =	swait.ge [sflag:s31], $0xA28  }
0x2c: {  	[sflag:s31] =	ssyncset.done $0x0  }
0x2d: {  	[sflag:s31] =	ssyncadd.s32 $0xFFFFF5D8  }
0x2e: {  	[tilespmem:s6], [sflag:$0x1] =	stream.indirect.gather [hbm4b:s3+s14], $0x80, s2, s14, $0xb8;
	[tilespmem:$0x19B00] =	vst v63  }
0x2f: {  	_ = 	snop  }
0x30: {  	[tilespmem:s15], [sflag:$0x1] =	stream.indirect.gather [hbm4b:s3+s14], $0x80, s14, s14, $0xb8;
	[tilespmem:$0x19B00] =	vst v63  }
0x31: {  	_ =	swait.ge [sflag:s4], $0x20  }
0x32: {  	s21 =	rddreg [dreg:$0x5];
	[sflag:s4] =	ssyncset.done $0x0  }
0x33: {  	s1 =	rddreg [dreg:$0x14];
	[sflag:s4] =	ssyncadd.s32 $0xFFFFFFE0  }
0x34: {  	[tilespmem:s5], [sflag:$0x7] =	stream.indirect.gather [hbm4b:s21+s1], $0x80, s30, s1, $0xb8;
	[tilespmem:$0x19B00] =	vst v63  }
0x35: {  	s19 =	smov.u32 s0;
	s0 =	rddreg [dreg:$0x15]  }
0x36: {  	[tilespmem:s7], [sflag:$0x2] =	stream.indirect.gather [hbm4b:s3+s14], $0x80, s0, s14, $0xb8;
	[tilespmem:$0x19B00] =	vst v63  }
0x37: {  	s21 =	rddreg [dreg:$0x16]  }
0x38: {  	[tilespmem:s20], [sflag:$0x2] =	stream.indirect.gather [hbm4b:s3+s14], $0x80, s21, s14, $0xb8;
	[tilespmem:$0x19B00] =	vst v63  }
0x39: {  	s0 =	rddreg [dreg:$0x17]  }
0x3a: {  	[tilespmem:s13], [sflag:$0x3] =	stream.indirect.gather [hbm4b:s3+s14], $0x80, s0, s14, $0xb8;
	[tilespmem:$0x19B00] =	vst v63  }
0x3b: {  	s21 =	rddreg [dreg:$0x18]  }
0x3c: {  	[tilespmem:s17], [sflag:$0x3] =	stream.indirect.gather [hbm4b:s3+s14], $0x80, s21, s14, $0xb8;
	[tilespmem:$0x19B00] =	vst v63  }
0x3d: {  	_ =	swait.ge [sflag:s10], $0x4000  }
0x3e: {  	[sflag:s10] =	ssyncset.done $0x0  }
0x3f: {  	[sflag:s10] =	ssyncadd.s32 $0xFFFFC000  }
0x40: {  	_ =	swait.ge [sflag:s10], $0x4000  }
0x41: {  	[sflag:s10] =	ssyncset.done $0x0  }
0x42: {  	s21 =	rddreg [dreg:$0x8];
	[sflag:s10] =	ssyncadd.s32 $0xFFFFC000  }
0x43: {  	[hbm4b:s21+s2] =	stream.linear.scatter [tilespmem:s6], [sflag:$0x4], $0x8000, $0x38;
	[tilespmem:$0x19B00] =	vst v63  }
0x44: {  	_ =	swait.ge [sflag:s8], $0x8000  }
0x45: {  	[sflag:s8] =	ssyncset.done $0x0  }
0x46: {  	s1 =	rddreg [dreg:$0x19];
	[sflag:s8] =	ssyncadd.s32 $0xFFFF8000  }
0x47: {  	[tilespmem:s6], [sflag:$0x1] =	stream.indirect.gather [hbm4b:s3+s14], $0x80, s1, s14, $0xb8;
	[tilespmem:$0x19B00] =	vst v63  }
0x48: {  	s21 =	rddreg [dreg:$0x1a]  }
0x49: {  	[tilespmem:s15], [sflag:$0x1] =	stream.indirect.gather [hbm4b:s3+s14], $0x80, s21, s14, $0xb8;
	[tilespmem:$0x19B00] =	vst v63  }
0x4a: {  	_ =	swait.ge [sflag:s12], $0x4000  }
0x4b: {  	[sflag:s12] =	ssyncset.done $0x0  }
0x4c: {  	[sflag:s12] =	ssyncadd.s32 $0xFFFFC000  }
0x4d: {  	_ =	swait.ge [sflag:s12], $0x4000  }
0x4e: {  	[sflag:s12] =	ssyncset.done $0x0  }
0x4f: {  	s21 =	rddreg [dreg:$0x9];
	[sflag:s12] =	ssyncadd.s32 $0xFFFFC000  }
0x50: {  	[hbm4b:s21+s2] =	stream.linear.scatter [tilespmem:s7], [sflag:$0x5], $0x8000, $0x38;
	[tilespmem:$0x19B00] =	vst v63  }
0x51: {  	_ =	swait.ge [sflag:s9], $0x8000  }
0x52: {  	[sflag:s9] =	ssyncset.done $0x0  }
0x53: {  	s1 =	rddreg [dreg:$0x1b];
	[sflag:s9] =	ssyncadd.s32 $0xFFFF8000  }
0x54: {  	[tilespmem:s7], [sflag:$0x2] =	stream.indirect.gather [hbm4b:s3+s14], $0x80, s1, s14, $0xb8;
	[tilespmem:$0x19B00] =	vst v63  }
0x55: {  	s21 =	rddreg [dreg:$0x1c]  }
0x56: {  	[tilespmem:s20], [sflag:$0x2] =	stream.indirect.gather [hbm4b:s3+s14], $0x80, s21, s14, $0xb8;
	[tilespmem:$0x19B00] =	vst v63  }
0x57: {  	_ =	swait.ge [sflag:s16], $0x4000  }
0x58: {  	[sflag:s16] =	ssyncset.done $0x0  }
0x59: {  	[sflag:s16] =	ssyncadd.s32 $0xFFFFC000  }
0x5a: {  	_ =	swait.ge [sflag:s16], $0x4000  }
0x5b: {  	[sflag:s16] =	ssyncset.done $0x0  }
0x5c: {  	s21 =	rddreg [dreg:$0xa];
	[sflag:s16] =	ssyncadd.s32 $0xFFFFC000  }
0x5d: {  	[hbm4b:s21+s2] =	stream.linear.scatter [tilespmem:s13], [sflag:$0x6], $0x8000, $0x38;
	[tilespmem:$0x19B00] =	vst v63  }
0x5e: {  	_ =	swait.ge [sflag:s11], $0x8000  }
0x5f: {  	[sflag:s11] =	ssyncset.done $0x0  }
0x60: {  	s1 =	rddreg [dreg:$0x1d];
	[sflag:s11] =	ssyncadd.s32 $0xFFFF8000  }
0x61: {  	[tilespmem:s13], [sflag:$0x3] =	stream.indirect.gather [hbm4b:s3+s14], $0x80, s1, s14, $0xb8;
	[tilespmem:$0x19B00] =	vst v63  }
0x62: {  	s21 =	rddreg [dreg:$0x1e]  }
0x63: {  	[tilespmem:s17], [sflag:$0x3] =	stream.indirect.gather [hbm4b:s3+s14], $0x80, s21, s14, $0xb8;
	[tilespmem:$0x19B00] =	vst v63  }
0x64: {  	_ =	swait.ge [sflag:s10], $0x4000  }
0x65: {  	[sflag:s10] =	ssyncset.done $0x0  }
0x66: {  	[sflag:s10] =	ssyncadd.s32 $0xFFFFC000  }
0x67: {  	_ =	swait.ge [sflag:s10], $0x4000  }
0x68: {  	[sflag:s10] =	ssyncset.done $0x0  }
0x69: {  	s1 =	rddreg [dreg:$0xb];
	[sflag:s10] =	ssyncadd.s32 $0xFFFFC000  }
0x6a: {  	[hbm4b:s1+s2] =	stream.linear.scatter [tilespmem:s6], [sflag:$0x4], $0x8000, $0x38;
	[tilespmem:$0x19B00] =	vst v63  }
0x6b: {  	_ =	swait.ge [sflag:s8], $0x8000  }
0x6c: {  	[sflag:s8] =	ssyncset.done $0x0  }
0x6d: {  	[sflag:s8] =	ssyncadd.s32 $0xFFFF8000  }
0x6e: {  	[tilespmem:s6], [sflag:$0x1] =	stream.indirect.gather [hbm4b:s3+s14], $0x80, s28, s14, $0xb8;
	[tilespmem:$0x19B00] =	vst v63  }
0x6f: {  	_ = 	snop  }
0x70: {  	[tilespmem:s15], [sflag:$0x1] =	stream.indirect.gather [hbm4b:s3+s14], $0x80, s29, s14, $0xb8;
	[tilespmem:$0x19B00] =	vst v63  }
0x71: {  	_ =	swait.ge [sflag:s12], $0x4000  }
0x72: {  	[sflag:s12] =	ssyncset.done $0x0  }
0x73: {  	[sflag:s12] =	ssyncadd.s32 $0xFFFFC000  }
0x74: {  	_ =	swait.ge [sflag:s12], $0x4000  }
0x75: {  	[sflag:s12] =	ssyncset.done $0x0  }
0x76: {  	s21 =	rddreg [dreg:$0xc];
	[sflag:s12] =	ssyncadd.s32 $0xFFFFC000  }
0x77: {  	[hbm4b:s21+s2] =	stream.linear.scatter [tilespmem:s7], [sflag:$0x5], $0x8000, $0x38;
	[tilespmem:$0x19B00] =	vst v63  }
0x78: {  	_ =	swait.ge [sflag:s9], $0x8000  }
0x79: {  	[sflag:s9] =	ssyncset.done $0x0  }
0x7a: {  	[sflag:s9] =	ssyncadd.s32 $0xFFFF8000  }
0x7b: {  	[tilespmem:s7], [sflag:$0x2] =	stream.indirect.gather [hbm4b:s3+s14], $0x80, s25, s14, $0xb8;
	[tilespmem:$0x19B00] =	vst v63  }
0x7c: {  	_ = 	snop  }
0x7d: {  	[tilespmem:s20], [sflag:$0x2] =	stream.indirect.gather [hbm4b:s3+s14], $0x80, s26, s14, $0xb8;
	[tilespmem:$0x19B00] =	vst v63  }
0x7e: {  	_ =	swait.ge [sflag:s16], $0x4000  }
0x7f: {  	[sflag:s16] =	ssyncset.done $0x0  }
0x80: {  	[sflag:s16] =	ssyncadd.s32 $0xFFFFC000  }
0x81: {  	_ =	swait.ge [sflag:s16], $0x4000  }
0x82: {  	[sflag:s16] =	ssyncset.done $0x0  }
0x83: {  	s1 =	rddreg [dreg:$0xd];
	[sflag:s16] =	ssyncadd.s32 $0xFFFFC000  }
0x84: {  	[hbm4b:s1+s2] =	stream.linear.scatter [tilespmem:s13], [sflag:$0x6], $0x8000, $0x38;
	[tilespmem:$0x19B00] =	vst v63  }
0x85: {  	_ =	swait.ge [sflag:s11], $0x8000  }
0x86: {  	[sflag:s11] =	ssyncset.done $0x0  }
0x87: {  	[sflag:s11] =	ssyncadd.s32 $0xFFFF8000  }
0x88: {  	[tilespmem:s13], [sflag:$0x3] =	stream.indirect.gather [hbm4b:s3+s14], $0x80, s23, s14, $0xb8;
	[tilespmem:$0x19B00] =	vst v63  }
0x89: {  	_ = 	snop  }
0x8a: {  	[tilespmem:s17], [sflag:$0x3] =	stream.indirect.gather [hbm4b:s3+s14], $0x80, s24, s14, $0xb8;
	[tilespmem:$0x19B00] =	vst v63  }
0x8b: {  	_ =	swait.ge [sflag:s10], $0x4000  }
0x8c: {  	[sflag:s10] =	ssyncset.done $0x0  }
0x8d: {  	[sflag:s10] =	ssyncadd.s32 $0xFFFFC000  }
0x8e: {  	_ =	swait.ge [sflag:s10], $0x4000  }
0x8f: {  	[sflag:s10] =	ssyncset.done $0x0  }
0x90: {  	s21 =	rddreg [dreg:$0xe];
	[sflag:s10] =	ssyncadd.s32 $0xFFFFC000  }
0x91: {  	[hbm4b:s21+s2] =	stream.linear.scatter [tilespmem:s6], [sflag:$0x4], $0x8000, $0x38;
	[tilespmem:$0x19B00] =	vst v63  }
0x92: {  	_ =	swait.ge [sflag:s8], $0x8000  }
0x93: {  	[sflag:s8] =	ssyncset.done $0x0  }
0x94: {  	s1 =	simm.s32 $0x900;
	[sflag:s8] =	ssyncadd.s32 $0xFFFF8000  }
0x95: {  	[tilespmem:s6], [sflag:$0x1] =	stream.indirect.gather [hbm4b:s3+s14], $0x80, s1, s14, $0xb8;
	[tilespmem:$0x19B00] =	vst v63  }
0x96: {  	_ = 	snop  }
0x97: {  	[tilespmem:s15], [sflag:$0x1] =	stream.indirect.gather [hbm4b:s3+s14], $0x80, s22, s14, $0xb8;
	[tilespmem:$0x19B00] =	vst v63  }
0x98: {  	_ =	swait.ge [sflag:s12], $0x4000  }
0x99: {  	[sflag:s12] =	ssyncset.done $0x0  }
0x9a: {  	[sflag:s12] =	ssyncadd.s32 $0xFFFFC000  }
0x9b: {  	_ =	swait.ge [sflag:s12], $0x4000  }
0x9c: {  	[sflag:s12] =	ssyncset.done $0x0  }
0x9d: {  	s21 =	rddreg [dreg:$0xf];
	[sflag:s12] =	ssyncadd.s32 $0xFFFFC000  }
0x9e: {  	[hbm4b:s21+s2] =	stream.linear.scatter [tilespmem:s7], [sflag:$0x5], $0x8000, $0x38;
	[tilespmem:$0x19B00] =	vst v63  }
0x9f: {  	_ =	swait.ge [sflag:s9], $0x8000  }
0xa0: {  	[sflag:s9] =	ssyncset.done $0x0  }
0xa1: {  	s1 =	simm.s32 $0xA00;
	[sflag:s9] =	ssyncadd.s32 $0xFFFF8000  }
0xa2: {  	[tilespmem:s7], [sflag:$0x2] =	stream.indirect.gather [hbm4b:s3+s18], $0x80, s1, s18, $0xb8;
	[tilespmem:$0x19B00] =	vst v63  }
0xa3: {  	_ =	swait.ge [sflag:s16], $0x4000  }
0xa4: {  	[sflag:s16] =	ssyncset.done $0x0  }
0xa5: {  	[sflag:s16] =	ssyncadd.s32 $0xFFFFC000  }
0xa6: {  	_ =	swait.ge [sflag:s16], $0x4000  }
0xa7: {  	[sflag:s16] =	ssyncset.done $0x0  }
0xa8: {  	s21 =	rddreg [dreg:$0x10];
	[sflag:s16] =	ssyncadd.s32 $0xFFFFC000  }
0xa9: {  	[hbm4b:s21+s2] =	stream.linear.scatter [tilespmem:s13], [sflag:$0x6], $0x8000, $0x38;
	[tilespmem:$0x19B00] =	vst v63  }
0xaa: {  	_ =	swait.ge [sflag:s10], $0x4000  }
0xab: {  	[sflag:s10] =	ssyncset.done $0x0  }
0xac: {  	[sflag:s10] =	ssyncadd.s32 $0xFFFFC000  }
0xad: {  	_ =	swait.ge [sflag:s10], $0x4000  }
0xae: {  	[sflag:s10] =	ssyncset.done $0x0  }
0xaf: {  	s1 =	rddreg [dreg:$0x11];
	[sflag:s10] =	ssyncadd.s32 $0xFFFFC000  }
0xb0: {  	[hbm4b:s1+s2] =	stream.linear.scatter [tilespmem:s6], [sflag:$0x4], $0x8000, $0x38;
	[tilespmem:$0x19B00] =	vst v63  }
0xb1: {  	_ =	swait.ge [sflag:s12], $0x1400  }
0xb2: {  	[sflag:s12] =	ssyncset.done $0x0  }
0xb3: {  	s18 =	rddreg [dreg:$0x12];
	[sflag:s12] =	ssyncadd.s32 $0xFFFFEC00  }
0xb4: {  	[hbm4b:s18+s2] =	stream.linear.scatter [tilespmem:s7], [sflag:$0x5], $0x1400, $0x38;
	[tilespmem:$0x19B00] =	vst v63  }
0xb5: {  	_ =	swait.ge [sflag:s8], $0x8000  }
0xb6: {  	[sflag:s8] =	ssyncset.done $0x0  }
0xb7: {  	[sflag:s8] =	ssyncadd.s32 $0xFFFF8000  }
0xb8: {  	_ =	swait.ge [sflag:s9], $0x1400  }
0xb9: {  	[sflag:s9] =	ssyncset.done $0x0  }
0xba: {  	[sflag:s9] =	ssyncadd.s32 $0xFFFFEC00  }
0xbb: {  	_ =	swait.ge [sflag:s11], $0x8000  }
0xbc: {  	[sflag:s11] =	ssyncset.done $0x0  }
0xbd: {  	p1 =	sne.s32 s19, $0x1;
	[sflag:s11] =	ssyncadd.s32 $0xFFFF8000  }
.Ltmp1:
0xbe: {  	_ =	swait.ge [sflag:s4], $0x1000;
	(pc) =	sbr.rel @!p1 .LBB2_2-.Ltmp1, $4  }
0xbf: {  	[sflag:s4] =	ssyncset.done $0x0  }
0xc0: {  	s21 =	rddreg [dreg:$0x13];
	[sflag:s4] =	ssyncadd.s32 $0xFFFFF000  }
0xc1: {  	[hbm4b:s21+s2] =	stream.linear.scatter [tilespmem:s5], [sflag:$0x7], $0x1000, $0x38;
	[tilespmem:$0x19B00] =	vst v63  }
0xc2: {  	p0 =	por $0x1, $0x1;
	s1 =	sadd.s32 $0xFFFFFFFF, s19;
	_ =	swait.ge [sflag:s4], $0x1000  }
.LBB2_3:
0xc3: {  	[sflag:s4] =	ssyncset.done $0x0  }
0xc4: {  	s0 =	rddreg [dreg:$0x6];
	[sflag:s4] =	ssyncadd.s32 $0xFFFFF000  }
0xc5: {  	[tilespmem:s2], [sflag:$0x8] =	stream.linear.gather [hbm4b:s0+s2], $0xA28, $0x38;
	[tilespmem:$0x19B00] =	vst v63  }
0xc6: {  	s18 =	rddreg [dreg:$0x7]  }
0xc7: {  	[tilespmem:s30], [sflag:$0x7] =	stream.linear.gather [hbm4b:s18+s2], $0x20, $0x38;
	[tilespmem:$0x19B00] =	vst v63  }
0xc8: {  	_ =	swait.ge [sflag:s31], $0xA28  }
0xc9: {  	[sflag:s31] =	ssyncset.done $0x0  }
0xca: {  	[sflag:s31] =	ssyncadd.s32 $0xFFFFF5D8  }
0xcb: {  	[tilespmem:s6], [sflag:$0x1] =	stream.indirect.gather [hbm4b:s3+s14], $0x80, s2, s14, $0xb8;
	[tilespmem:$0x19B00] =	vst v63  }
0xcc: {  	_ = 	snop  }
0xcd: {  	[tilespmem:s15], [sflag:$0x1] =	stream.indirect.gather [hbm4b:s3+s14], $0x80, s14, s14, $0xb8;
	[tilespmem:$0x19B00] =	vst v63  }
0xce: {  	_ =	swait.ge [sflag:s4], $0x20  }
0xcf: {  	s0 =	rddreg [dreg:$0x5];
	[sflag:s4] =	ssyncset.done $0x0  }
0xd0: {  	s18 =	rddreg [dreg:$0x14];
	[sflag:s4] =	ssyncadd.s32 $0xFFFFFFE0  }
0xd1: {  	[tilespmem:s5], [sflag:$0x7] =	stream.indirect.gather [hbm4b:s0+s18], $0x80, s30, s18, $0xb8;
	[tilespmem:$0x19B00] =	vst v63  }
0xd2: {  	s19 =	rddreg [dreg:$0x15]  }
0xd3: {  	[tilespmem:s7], [sflag:$0x2] =	stream.indirect.gather [hbm4b:s3+s14], $0x80, s19, s14, $0xb8;
	[tilespmem:$0x19B00] =	vst v63  }
0xd4: {  	s21 =	rddreg [dreg:$0x16]  }
0xd5: {  	[tilespmem:s20], [sflag:$0x2] =	stream.indirect.gather [hbm4b:s3+s14], $0x80, s21, s14, $0xb8;
	[tilespmem:$0x19B00] =	vst v63  }
0xd6: {  	s18 =	rddreg [dreg:$0x17]  }
0xd7: {  	[tilespmem:s13], [sflag:$0x3] =	stream.indirect.gather [hbm4b:s3+s14], $0x80, s18, s14, $0xb8;
	[tilespmem:$0x19B00] =	vst v63  }
0xd8: {  	s19 =	rddreg [dreg:$0x18]  }
0xd9: {  	[tilespmem:s17], [sflag:$0x3] =	stream.indirect.gather [hbm4b:s3+s14], $0x80, s19, s14, $0xb8;
	[tilespmem:$0x19B00] =	vst v63  }
0xda: {  	_ =	swait.ge [sflag:s10], $0x4000  }
0xdb: {  	[sflag:s10] =	ssyncset.done $0x0  }
0xdc: {  	[sflag:s10] =	ssyncadd.s32 $0xFFFFC000  }
0xdd: {  	_ =	swait.ge [sflag:s10], $0x4000  }
0xde: {  	[sflag:s10] =	ssyncset.done $0x0  }
0xdf: {  	s18 =	rddreg [dreg:$0x8];
	[sflag:s10] =	ssyncadd.s32 $0xFFFFC000  }
0xe0: {  	[hbm4b:s18+s2] =	stream.linear.scatter [tilespmem:s6], [sflag:$0x4], $0x8000, $0x38;
	[tilespmem:$0x19B00] =	vst v63  }
0xe1: {  	_ =	swait.ge [sflag:s8], $0x8000  }
0xe2: {  	[sflag:s8] =	ssyncset.done $0x0  }
0xe3: {  	s19 =	rddreg [dreg:$0x19];
	[sflag:s8] =	ssyncadd.s32 $0xFFFF8000  }
0xe4: {  	[tilespmem:s6], [sflag:$0x1] =	stream.indirect.gather [hbm4b:s3+s14], $0x80, s19, s14, $0xb8;
	[tilespmem:$0x19B00] =	vst v63  }
0xe5: {  	s21 =	rddreg [dreg:$0x1a]  }
0xe6: {  	[tilespmem:s15], [sflag:$0x1] =	stream.indirect.gather [hbm4b:s3+s14], $0x80, s21, s14, $0xb8;
	[tilespmem:$0x19B00] =	vst v63  }
0xe7: {  	_ =	swait.ge [sflag:s12], $0x4000  }
0xe8: {  	[sflag:s12] =	ssyncset.done $0x0  }
0xe9: {  	[sflag:s12] =	ssyncadd.s32 $0xFFFFC000  }
0xea: {  	_ =	swait.ge [sflag:s12], $0x4000  }
0xeb: {  	[sflag:s12] =	ssyncset.done $0x0  }
0xec: {  	s18 =	rddreg [dreg:$0x9];
	[sflag:s12] =	ssyncadd.s32 $0xFFFFC000  }
0xed: {  	[hbm4b:s18+s2] =	stream.linear.scatter [tilespmem:s7], [sflag:$0x5], $0x8000, $0x38;
	[tilespmem:$0x19B00] =	vst v63  }
0xee: {  	_ =	swait.ge [sflag:s9], $0x8000  }
0xef: {  	[sflag:s9] =	ssyncset.done $0x0  }
0xf0: {  	s19 =	rddreg [dreg:$0x1b];
	[sflag:s9] =	ssyncadd.s32 $0xFFFF8000  }
0xf1: {  	[tilespmem:s7], [sflag:$0x2] =	stream.indirect.gather [hbm4b:s3+s14], $0x80, s19, s14, $0xb8;
	[tilespmem:$0x19B00] =	vst v63  }
0xf2: {  	s21 =	rddreg [dreg:$0x1c]  }
0xf3: {  	[tilespmem:s20], [sflag:$0x2] =	stream.indirect.gather [hbm4b:s3+s14], $0x80, s21, s14, $0xb8;
	[tilespmem:$0x19B00] =	vst v63  }
0xf4: {  	_ =	swait.ge [sflag:s16], $0x4000  }
0xf5: {  	[sflag:s16] =	ssyncset.done $0x0  }
0xf6: {  	[sflag:s16] =	ssyncadd.s32 $0xFFFFC000  }
0xf7: {  	_ =	swait.ge [sflag:s16], $0x4000  }
0xf8: {  	[sflag:s16] =	ssyncset.done $0x0  }
0xf9: {  	s18 =	rddreg [dreg:$0xa];
	[sflag:s16] =	ssyncadd.s32 $0xFFFFC000  }
0xfa: {  	[hbm4b:s18+s2] =	stream.linear.scatter [tilespmem:s13], [sflag:$0x6], $0x8000, $0x38;
	[tilespmem:$0x19B00] =	vst v63  }
0xfb: {  	_ =	swait.ge [sflag:s11], $0x8000  }
0xfc: {  	[sflag:s11] =	ssyncset.done $0x0  }
0xfd: {  	s19 =	rddreg [dreg:$0x1d];
	[sflag:s11] =	ssyncadd.s32 $0xFFFF8000  }
0xfe: {  	[tilespmem:s13], [sflag:$0x3] =	stream.indirect.gather [hbm4b:s3+s14], $0x80, s19, s14, $0xb8;
	[tilespmem:$0x19B00] =	vst v63  }
0xff: {  	s21 =	rddreg [dreg:$0x1e]  }
0x100: {  	[tilespmem:s17], [sflag:$0x3] =	stream.indirect.gather [hbm4b:s3+s14], $0x80, s21, s14, $0xb8;
	[tilespmem:$0x19B00] =	vst v63  }
0x101: {  	_ =	swait.ge [sflag:s10], $0x4000  }
0x102: {  	[sflag:s10] =	ssyncset.done $0x0  }
0x103: {  	[sflag:s10] =	ssyncadd.s32 $0xFFFFC000  }
0x104: {  	_ =	swait.ge [sflag:s10], $0x4000  }
0x105: {  	[sflag:s10] =	ssyncset.done $0x0  }
0x106: {  	s19 =	rddreg [dreg:$0xb];
	[sflag:s10] =	ssyncadd.s32 $0xFFFFC000  }
0x107: {  	[hbm4b:s19+s2] =	stream.linear.scatter [tilespmem:s6], [sflag:$0x4], $0x8000, $0x38;
	[tilespmem:$0x19B00] =	vst v63  }
0x108: {  	_ =	swait.ge [sflag:s8], $0x8000  }
0x109: {  	[sflag:s8] =	ssyncset.done $0x0  }
0x10a: {  	[sflag:s8] =	ssyncadd.s32 $0xFFFF8000  }
0x10b: {  	[tilespmem:s6], [sflag:$0x1] =	stream.indirect.gather [hbm4b:s3+s14], $0x80, s28, s14, $0xb8;
	[tilespmem:$0x19B00] =	vst v63  }
0x10c: {  	_ = 	snop  }
0x10d: {  	[tilespmem:s15], [sflag:$0x1] =	stream.indirect.gather [hbm4b:s3+s14], $0x80, s29, s14, $0xb8;
	[tilespmem:$0x19B00] =	vst v63  }
0x10e: {  	_ =	swait.ge [sflag:s12], $0x4000  }
0x10f: {  	[sflag:s12] =	ssyncset.done $0x0  }
0x110: {  	[sflag:s12] =	ssyncadd.s32 $0xFFFFC000  }
0x111: {  	_ =	swait.ge [sflag:s12], $0x4000  }
0x112: {  	[sflag:s12] =	ssyncset.done $0x0  }
0x113: {  	s21 =	rddreg [dreg:$0xc];
	[sflag:s12] =	ssyncadd.s32 $0xFFFFC000  }
0x114: {  	[hbm4b:s21+s2] =	stream.linear.scatter [tilespmem:s7], [sflag:$0x5], $0x8000, $0x38;
	[tilespmem:$0x19B00] =	vst v63  }
0x115: {  	_ =	swait.ge [sflag:s9], $0x8000  }
0x116: {  	[sflag:s9] =	ssyncset.done $0x0  }
0x117: {  	[sflag:s9] =	ssyncadd.s32 $0xFFFF8000  }
0x118: {  	[tilespmem:s7], [sflag:$0x2] =	stream.indirect.gather [hbm4b:s3+s14], $0x80, s25, s14, $0xb8;
	[tilespmem:$0x19B00] =	vst v63  }
0x119: {  	_ = 	snop  }
0x11a: {  	[tilespmem:s20], [sflag:$0x2] =	stream.indirect.gather [hbm4b:s3+s14], $0x80, s26, s14, $0xb8;
	[tilespmem:$0x19B00] =	vst v63  }
0x11b: {  	_ =	swait.ge [sflag:s16], $0x4000  }
0x11c: {  	[sflag:s16] =	ssyncset.done $0x0  }
0x11d: {  	[sflag:s16] =	ssyncadd.s32 $0xFFFFC000  }
0x11e: {  	_ =	swait.ge [sflag:s16], $0x4000  }
0x11f: {  	[sflag:s16] =	ssyncset.done $0x0  }
0x120: {  	s19 =	rddreg [dreg:$0xd];
	[sflag:s16] =	ssyncadd.s32 $0xFFFFC000  }
0x121: {  	[hbm4b:s19+s2] =	stream.linear.scatter [tilespmem:s13], [sflag:$0x6], $0x8000, $0x38;
	[tilespmem:$0x19B00] =	vst v63  }
0x122: {  	_ =	swait.ge [sflag:s11], $0x8000  }
0x123: {  	[sflag:s11] =	ssyncset.done $0x0  }
0x124: {  	[sflag:s11] =	ssyncadd.s32 $0xFFFF8000  }
0x125: {  	[tilespmem:s13], [sflag:$0x3] =	stream.indirect.gather [hbm4b:s3+s14], $0x80, s23, s14, $0xb8;
	[tilespmem:$0x19B00] =	vst v63  }
0x126: {  	_ = 	snop  }
0x127: {  	[tilespmem:s17], [sflag:$0x3] =	stream.indirect.gather [hbm4b:s3+s14], $0x80, s24, s14, $0xb8;
	[tilespmem:$0x19B00] =	vst v63  }
0x128: {  	_ =	swait.ge [sflag:s10], $0x4000  }
0x129: {  	[sflag:s10] =	ssyncset.done $0x0  }
0x12a: {  	[sflag:s10] =	ssyncadd.s32 $0xFFFFC000  }
0x12b: {  	_ =	swait.ge [sflag:s10], $0x4000  }
0x12c: {  	[sflag:s10] =	ssyncset.done $0x0  }
0x12d: {  	s21 =	rddreg [dreg:$0xe];
	[sflag:s10] =	ssyncadd.s32 $0xFFFFC000  }
0x12e: {  	[hbm4b:s21+s2] =	stream.linear.scatter [tilespmem:s6], [sflag:$0x4], $0x8000, $0x38;
	[tilespmem:$0x19B00] =	vst v63  }
0x12f: {  	_ =	swait.ge [sflag:s8], $0x8000  }
0x130: {  	[sflag:s8] =	ssyncset.done $0x0  }
0x131: {  	s19 =	simm.s32 $0x900;
	[sflag:s8] =	ssyncadd.s32 $0xFFFF8000  }
0x132: {  	[tilespmem:s6], [sflag:$0x1] =	stream.indirect.gather [hbm4b:s3+s14], $0x80, s19, s14, $0xb8;
	[tilespmem:$0x19B00] =	vst v63  }
0x133: {  	_ = 	snop  }
0x134: {  	[tilespmem:s15], [sflag:$0x1] =	stream.indirect.gather [hbm4b:s3+s14], $0x80, s22, s14, $0xb8;
	[tilespmem:$0x19B00] =	vst v63  }
0x135: {  	_ =	swait.ge [sflag:s12], $0x4000  }
0x136: {  	[sflag:s12] =	ssyncset.done $0x0  }
0x137: {  	[sflag:s12] =	ssyncadd.s32 $0xFFFFC000  }
0x138: {  	_ =	swait.ge [sflag:s12], $0x4000  }
0x139: {  	[sflag:s12] =	ssyncset.done $0x0  }
0x13a: {  	s21 =	rddreg [dreg:$0xf];
	[sflag:s12] =	ssyncadd.s32 $0xFFFFC000  }
0x13b: {  	[hbm4b:s21+s2] =	stream.linear.scatter [tilespmem:s7], [sflag:$0x5], $0x8000, $0x38;
	[tilespmem:$0x19B00] =	vst v63  }
0x13c: {  	_ =	swait.ge [sflag:s9], $0x8000  }
0x13d: {  	[sflag:s9] =	ssyncset.done $0x0  }
0x13e: {  	s18 =	simm.s32 $0x28;
	s19 =	simm.s32 $0xA00;
	[sflag:s9] =	ssyncadd.s32 $0xFFFF8000  }
0x13f: {  	[tilespmem:s7], [sflag:$0x2] =	stream.indirect.gather [hbm4b:s3+s18], $0x80, s19, s18, $0xb8;
	[tilespmem:$0x19B00] =	vst v63  }
0x140: {  	_ =	swait.ge [sflag:s16], $0x4000  }
0x141: {  	[sflag:s16] =	ssyncset.done $0x0  }
0x142: {  	[sflag:s16] =	ssyncadd.s32 $0xFFFFC000  }
0x143: {  	_ =	swait.ge [sflag:s16], $0x4000  }
0x144: {  	[sflag:s16] =	ssyncset.done $0x0  }
0x145: {  	s21 =	rddreg [dreg:$0x10];
	[sflag:s16] =	ssyncadd.s32 $0xFFFFC000  }
0x146: {  	[hbm4b:s21+s2] =	stream.linear.scatter [tilespmem:s13], [sflag:$0x6], $0x8000, $0x38;
	[tilespmem:$0x19B00] =	vst v63  }
0x147: {  	_ =	swait.ge [sflag:s10], $0x4000  }
0x148: {  	[sflag:s10] =	ssyncset.done $0x0  }
0x149: {  	[sflag:s10] =	ssyncadd.s32 $0xFFFFC000  }
0x14a: {  	_ =	swait.ge [sflag:s10], $0x4000  }
0x14b: {  	[sflag:s10] =	ssyncset.done $0x0  }
0x14c: {  	s18 =	rddreg [dreg:$0x11];
	[sflag:s10] =	ssyncadd.s32 $0xFFFFC000  }
0x14d: {  	[hbm4b:s18+s2] =	stream.linear.scatter [tilespmem:s6], [sflag:$0x4], $0x8000, $0x38;
	[tilespmem:$0x19B00] =	vst v63  }
0x14e: {  	_ =	swait.ge [sflag:s12], $0x1400  }
0x14f: {  	[sflag:s12] =	ssyncset.done $0x0  }
0x150: {  	s19 =	rddreg [dreg:$0x12];
	[sflag:s12] =	ssyncadd.s32 $0xFFFFEC00  }
0x151: {  	[hbm4b:s19+s2] =	stream.linear.scatter [tilespmem:s7], [sflag:$0x5], $0x1400, $0x38;
	[tilespmem:$0x19B00] =	vst v63  }
0x152: {  	_ =	swait.ge [sflag:s8], $0x8000  }
0x153: {  	[sflag:s8] =	ssyncset.done $0x0  }
0x154: {  	[sflag:s8] =	ssyncadd.s32 $0xFFFF8000  }
0x155: {  	_ =	swait.ge [sflag:s9], $0x1400  }
0x156: {  	[sflag:s9] =	ssyncset.done $0x0  }
0x157: {  	[sflag:s9] =	ssyncadd.s32 $0xFFFFEC00  }
0x158: {  	_ =	swait.ge [sflag:s11], $0x8000  }
0x159: {  	[sflag:s11] =	ssyncset.done $0x0  }
0x15a: {  	p1 =	sne.s32 s1, $0x1;
	[sflag:s11] =	ssyncadd.s32 $0xFFFF8000  }
.Ltmp2:
0x15b: {  	_ =	swait.ge [sflag:s4], $0x1000;
	(pc) =	sbr.rel @p1 .LBB2_3-.Ltmp2, $4  }
0x15c: {  	[sflag:s4] =	ssyncset.done $0x0  }
0x15d: {  	s21 =	rddreg [dreg:$0x13];
	[sflag:s4] =	ssyncadd.s32 $0xFFFFF000  }
0x15e: {  	[hbm4b:s21+s2] =	stream.linear.scatter [tilespmem:s5], [sflag:$0x7], $0x1000, $0x38;
	[tilespmem:$0x19B00] =	vst v63  }
0x15f: {  	s1 =	sadd.s32 $0xFFFFFFFF, s1;
	_ =	swait.ge [sflag:s4], $0x1000  }
0x160: {  	s19 =	stileid.u32;
	s21 =	rddreg [dreg:$0x4]  }
.LBB2_5:
0x161: {  	[sflag:s4] =	ssyncset.done @p0 $0x0  }
0x162: {  	s0 =	rddreg [dreg:$0x6];
	[sflag:s4] =	ssyncadd.s32 @p0 $0xFFFFF000  }
0x163: {  	[tilespmem:s2], [sflag:$0x8] =	stream.linear.gather [hbm4b:s0+s2], $0xA28, $0x38;
	[tilespmem:$0x19B00] =	vst v63  }
0x164: {  	s1 =	rddreg [dreg:$0x7]  }
0x165: {  	[tilespmem:s30], [sflag:$0x7] =	stream.linear.gather [hbm4b:s1+s2], $0x20, $0x38;
	[tilespmem:$0x19B00] =	vst v63  }
0x166: {  	_ =	swait.ge [sflag:s31], $0xA28  }
0x167: {  	[sflag:s31] =	ssyncset.done $0x0  }
0x168: {  	[sflag:s31] =	ssyncadd.s32 $0xFFFFF5D8  }
0x169: {  	[tilespmem:s6], [sflag:$0x1] =	stream.indirect.gather [hbm4b:s3+s14], $0x80, s2, s14, $0xb8;
	[tilespmem:$0x19B00] =	vst v63  }
0x16a: {  	_ = 	snop  }
0x16b: {  	[tilespmem:s15], [sflag:$0x1] =	stream.indirect.gather [hbm4b:s3+s14], $0x80, s14, s14, $0xb8;
	[tilespmem:$0x19B00] =	vst v63  }
0x16c: {  	_ =	swait.ge [sflag:s4], $0x20  }
0x16d: {  	s0 =	rddreg [dreg:$0x5];
	[sflag:s4] =	ssyncset.done $0x0  }
0x16e: {  	s1 =	rddreg [dreg:$0x14];
	[sflag:s4] =	ssyncadd.s32 $0xFFFFFFE0  }
0x16f: {  	[tilespmem:s5], [sflag:$0x7] =	stream.indirect.gather [hbm4b:s0+s1], $0x80, s30, s1, $0xb8;
	[tilespmem:$0x19B00] =	vst v63  }
0x170: {  	s18 =	rddreg [dreg:$0x15]  }
0x171: {  	[tilespmem:s7], [sflag:$0x2] =	stream.indirect.gather [hbm4b:s3+s14], $0x80, s18, s14, $0xb8;
	[tilespmem:$0x19B00] =	vst v63  }
0x172: {  	s1 =	rddreg [dreg:$0x16]  }
0x173: {  	[tilespmem:s20], [sflag:$0x2] =	stream.indirect.gather [hbm4b:s3+s14], $0x80, s1, s14, $0xb8;
	[tilespmem:$0x19B00] =	vst v63  }
0x174: {  	s18 =	rddreg [dreg:$0x17]  }
0x175: {  	[tilespmem:s13], [sflag:$0x3] =	stream.indirect.gather [hbm4b:s3+s14], $0x80, s18, s14, $0xb8;
	[tilespmem:$0x19B00] =	vst v63  }
0x176: {  	s30 =	rddreg [dreg:$0x18]  }
0x177: {  	[tilespmem:s17], [sflag:$0x3] =	stream.indirect.gather [hbm4b:s3+s14], $0x80, s30, s14, $0xb8;
	[tilespmem:$0x19B00] =	vst v63  }
0x178: {  	_ =	swait.ge [sflag:s10], $0x4000  }
0x179: {  	[sflag:s10] =	ssyncset.done $0x0  }
0x17a: {  	[sflag:s10] =	ssyncadd.s32 $0xFFFFC000  }
0x17b: {  	_ =	swait.ge [sflag:s10], $0x4000  }
0x17c: {  	[sflag:s10] =	ssyncset.done $0x0  }
0x17d: {  	s1 =	rddreg [dreg:$0x8];
	[sflag:s10] =	ssyncadd.s32 $0xFFFFC000  }
0x17e: {  	[hbm4b:s1+s2] =	stream.linear.scatter [tilespmem:s6], [sflag:$0x4], $0x8000, $0x38;
	[tilespmem:$0x19B00] =	vst v63  }
0x17f: {  	_ =	swait.ge [sflag:s8], $0x8000  }
0x180: {  	[sflag:s8] =	ssyncset.done $0x0  }
0x181: {  	s18 =	rddreg [dreg:$0x19];
	[sflag:s8] =	ssyncadd.s32 $0xFFFF8000  }
0x182: {  	[tilespmem:s6], [sflag:$0x1] =	stream.indirect.gather [hbm4b:s3+s14], $0x80, s18, s14, $0xb8;
	[tilespmem:$0x19B00] =	vst v63  }
0x183: {  	s30 =	rddreg [dreg:$0x1a]  }
0x184: {  	[tilespmem:s15], [sflag:$0x1] =	stream.indirect.gather [hbm4b:s3+s14], $0x80, s30, s14, $0xb8;
	[tilespmem:$0x19B00] =	vst v63  }
0x185: {  	_ =	swait.ge [sflag:s12], $0x4000  }
0x186: {  	[sflag:s12] =	ssyncset.done $0x0  }
0x187: {  	[sflag:s12] =	ssyncadd.s32 $0xFFFFC000  }
0x188: {  	_ =	swait.ge [sflag:s12], $0x4000  }
0x189: {  	[sflag:s12] =	ssyncset.done $0x0  }
0x18a: {  	s1 =	rddreg [dreg:$0x9];
	[sflag:s12] =	ssyncadd.s32 $0xFFFFC000  }
0x18b: {  	[hbm4b:s1+s2] =	stream.linear.scatter [tilespmem:s7], [sflag:$0x5], $0x8000, $0x38;
	[tilespmem:$0x19B00] =	vst v63  }
0x18c: {  	_ =	swait.ge [sflag:s9], $0x8000  }
0x18d: {  	[sflag:s9] =	ssyncset.done $0x0  }
0x18e: {  	s18 =	rddreg [dreg:$0x1b];
	[sflag:s9] =	ssyncadd.s32 $0xFFFF8000  }
0x18f: {  	[tilespmem:s7], [sflag:$0x2] =	stream.indirect.gather [hbm4b:s3+s14], $0x80, s18, s14, $0xb8;
	[tilespmem:$0x19B00] =	vst v63  }
0x190: {  	s30 =	rddreg [dreg:$0x1c]  }
0x191: {  	[tilespmem:s20], [sflag:$0x2] =	stream.indirect.gather [hbm4b:s3+s14], $0x80, s30, s14, $0xb8;
	[tilespmem:$0x19B00] =	vst v63  }
0x192: {  	_ =	swait.ge [sflag:s16], $0x4000  }
0x193: {  	[sflag:s16] =	ssyncset.done $0x0  }
0x194: {  	[sflag:s16] =	ssyncadd.s32 $0xFFFFC000  }
0x195: {  	_ =	swait.ge [sflag:s16], $0x4000  }
0x196: {  	[sflag:s16] =	ssyncset.done $0x0  }
0x197: {  	s1 =	rddreg [dreg:$0xa];
	[sflag:s16] =	ssyncadd.s32 $0xFFFFC000  }
0x198: {  	[hbm4b:s1+s2] =	stream.linear.scatter [tilespmem:s13], [sflag:$0x6], $0x8000, $0x38;
	[tilespmem:$0x19B00] =	vst v63  }
0x199: {  	_ =	swait.ge [sflag:s11], $0x8000  }
0x19a: {  	[sflag:s11] =	ssyncset.done $0x0  }
0x19b: {  	s18 =	rddreg [dreg:$0x1d];
	[sflag:s11] =	ssyncadd.s32 $0xFFFF8000  }
0x19c: {  	[tilespmem:s13], [sflag:$0x3] =	stream.indirect.gather [hbm4b:s3+s14], $0x80, s18, s14, $0xb8;
	[tilespmem:$0x19B00] =	vst v63  }
0x19d: {  	s30 =	rddreg [dreg:$0x1e]  }
0x19e: {  	[tilespmem:s17], [sflag:$0x3] =	stream.indirect.gather [hbm4b:s3+s14], $0x80, s30, s14, $0xb8;
	[tilespmem:$0x19B00] =	vst v63  }
0x19f: {  	_ =	swait.ge [sflag:s10], $0x4000  }
0x1a0: {  	[sflag:s10] =	ssyncset.done $0x0  }
0x1a1: {  	[sflag:s10] =	ssyncadd.s32 $0xFFFFC000  }
0x1a2: {  	_ =	swait.ge [sflag:s10], $0x4000  }
0x1a3: {  	[sflag:s10] =	ssyncset.done $0x0  }
0x1a4: {  	s1 =	rddreg [dreg:$0xb];
	[sflag:s10] =	ssyncadd.s32 $0xFFFFC000  }
0x1a5: {  	[hbm4b:s1+s2] =	stream.linear.scatter [tilespmem:s6], [sflag:$0x4], $0x8000, $0x38;
	[tilespmem:$0x19B00] =	vst v63  }
0x1a6: {  	_ =	swait.ge [sflag:s8], $0x8000  }
0x1a7: {  	[sflag:s8] =	ssyncset.done $0x0  }
0x1a8: {  	[sflag:s8] =	ssyncadd.s32 $0xFFFF8000  }
0x1a9: {  	[tilespmem:s6], [sflag:$0x1] =	stream.indirect.gather [hbm4b:s3+s14], $0x80, s28, s14, $0xb8;
	[tilespmem:$0x19B00] =	vst v63  }
0x1aa: {  	_ = 	snop  }
0x1ab: {  	[tilespmem:s15], [sflag:$0x1] =	stream.indirect.gather [hbm4b:s3+s14], $0x80, s29, s14, $0xb8;
	[tilespmem:$0x19B00] =	vst v63  }
0x1ac: {  	_ =	swait.ge [sflag:s12], $0x4000  }
0x1ad: {  	[sflag:s12] =	ssyncset.done $0x0  }
0x1ae: {  	[sflag:s12] =	ssyncadd.s32 $0xFFFFC000  }
0x1af: {  	_ =	swait.ge [sflag:s12], $0x4000  }
0x1b0: {  	[sflag:s12] =	ssyncset.done $0x0  }
0x1b1: {  	s18 =	rddreg [dreg:$0xc];
	[sflag:s12] =	ssyncadd.s32 $0xFFFFC000  }
0x1b2: {  	[hbm4b:s18+s2] =	stream.linear.scatter [tilespmem:s7], [sflag:$0x5], $0x8000, $0x38;
	[tilespmem:$0x19B00] =	vst v63  }
0x1b3: {  	_ =	swait.ge [sflag:s9], $0x8000  }
0x1b4: {  	[sflag:s9] =	ssyncset.done $0x0  }
0x1b5: {  	[sflag:s9] =	ssyncadd.s32 $0xFFFF8000  }
0x1b6: {  	[tilespmem:s7], [sflag:$0x2] =	stream.indirect.gather [hbm4b:s3+s14], $0x80, s25, s14, $0xb8;
	[tilespmem:$0x19B00] =	vst v63  }
0x1b7: {  	_ = 	snop  }
0x1b8: {  	[tilespmem:s20], [sflag:$0x2] =	stream.indirect.gather [hbm4b:s3+s14], $0x80, s26, s14, $0xb8;
	[tilespmem:$0x19B00] =	vst v63  }
0x1b9: {  	_ =	swait.ge [sflag:s16], $0x4000  }
0x1ba: {  	[sflag:s16] =	ssyncset.done $0x0  }
0x1bb: {  	[sflag:s16] =	ssyncadd.s32 $0xFFFFC000  }
0x1bc: {  	_ =	swait.ge [sflag:s16], $0x4000  }
0x1bd: {  	[sflag:s16] =	ssyncset.done $0x0  }
0x1be: {  	s20 =	rddreg [dreg:$0xd];
	[sflag:s16] =	ssyncadd.s32 $0xFFFFC000  }
0x1bf: {  	[hbm4b:s20+s2] =	stream.linear.scatter [tilespmem:s13], [sflag:$0x6], $0x8000, $0x38;
	[tilespmem:$0x19B00] =	vst v63  }
0x1c0: {  	_ =	swait.ge [sflag:s11], $0x8000  }
0x1c1: {  	[sflag:s11] =	ssyncset.done $0x0  }
0x1c2: {  	[sflag:s11] =	ssyncadd.s32 $0xFFFF8000  }
0x1c3: {  	[tilespmem:s13], [sflag:$0x3] =	stream.indirect.gather [hbm4b:s3+s14], $0x80, s23, s14, $0xb8;
	[tilespmem:$0x19B00] =	vst v63  }
0x1c4: {  	_ = 	snop  }
0x1c5: {  	[tilespmem:s17], [sflag:$0x3] =	stream.indirect.gather [hbm4b:s3+s14], $0x80, s24, s14, $0xb8;
	[tilespmem:$0x19B00] =	vst v63  }
0x1c6: {  	_ =	swait.ge [sflag:s10], $0x4000  }
0x1c7: {  	[sflag:s10] =	ssyncset.done $0x0  }
0x1c8: {  	[sflag:s10] =	ssyncadd.s32 $0xFFFFC000  }
0x1c9: {  	_ =	swait.ge [sflag:s10], $0x4000  }
0x1ca: {  	[sflag:s10] =	ssyncset.done $0x0  }
0x1cb: {  	s23 =	rddreg [dreg:$0xe];
	[sflag:s10] =	ssyncadd.s32 $0xFFFFC000  }
0x1cc: {  	[hbm4b:s23+s2] =	stream.linear.scatter [tilespmem:s6], [sflag:$0x4], $0x8000, $0x38;
	[tilespmem:$0x19B00] =	vst v63  }
0x1cd: {  	_ =	swait.ge [sflag:s8], $0x8000  }
0x1ce: {  	[sflag:s8] =	ssyncset.done $0x0  }
0x1cf: {  	s24 =	simm.s32 $0x900;
	[sflag:s8] =	ssyncadd.s32 $0xFFFF8000  }
0x1d0: {  	[tilespmem:s6], [sflag:$0x1] =	stream.indirect.gather [hbm4b:s3+s14], $0x80, s24, s14, $0xb8;
	[tilespmem:$0x19B00] =	vst v63  }
0x1d1: {  	_ = 	snop  }
0x1d2: {  	[tilespmem:s15], [sflag:$0x1] =	stream.indirect.gather [hbm4b:s3+s14], $0x80, s22, s14, $0xb8;
	[tilespmem:$0x19B00] =	vst v63  }
0x1d3: {  	_ =	swait.ge [sflag:s12], $0x4000  }
0x1d4: {  	[sflag:s12] =	ssyncset.done $0x0  }
0x1d5: {  	[sflag:s12] =	ssyncadd.s32 $0xFFFFC000  }
0x1d6: {  	_ =	swait.ge [sflag:s12], $0x4000  }
0x1d7: {  	[sflag:s12] =	ssyncset.done $0x0  }
0x1d8: {  	s25 =	rddreg [dreg:$0xf];
	[sflag:s12] =	ssyncadd.s32 $0xFFFFC000  }
0x1d9: {  	[hbm4b:s25+s2] =	stream.linear.scatter [tilespmem:s7], [sflag:$0x5], $0x8000, $0x38;
	[tilespmem:$0x19B00] =	vst v63  }
0x1da: {  	_ =	swait.ge [sflag:s9], $0x8000  }
0x1db: {  	[sflag:s9] =	ssyncset.done $0x0  }
0x1dc: {  	s31 =	simm.s32 $0x28;
	s26 =	simm.s32 $0xA00;
	[sflag:s9] =	ssyncadd.s32 $0xFFFF8000  }
0x1dd: {  	[tilespmem:s7], [sflag:$0x2] =	stream.indirect.gather [hbm4b:s3+s31], $0x80, s26, s31, $0xb8;
	[tilespmem:$0x19B00] =	vst v63  }
0x1de: {  	_ =	swait.ge [sflag:s16], $0x4000  }
0x1df: {  	[sflag:s16] =	ssyncset.done $0x0  }
0x1e0: {  	[sflag:s16] =	ssyncadd.s32 $0xFFFFC000  }
0x1e1: {  	_ =	swait.ge [sflag:s16], $0x4000  }
0x1e2: {  	[sflag:s16] =	ssyncset.done $0x0  }
0x1e3: {  	s28 =	rddreg [dreg:$0x10];
	[sflag:s16] =	ssyncadd.s32 $0xFFFFC000  }
0x1e4: {  	[hbm4b:s28+s2] =	stream.linear.scatter [tilespmem:s13], [sflag:$0x6], $0x8000, $0x38;
	[tilespmem:$0x19B00] =	vst v63  }
0x1e5: {  	_ =	swait.ge [sflag:s10], $0x4000  }
0x1e6: {  	[sflag:s10] =	ssyncset.done $0x0  }
0x1e7: {  	[sflag:s10] =	ssyncadd.s32 $0xFFFFC000  }
0x1e8: {  	_ =	swait.ge [sflag:s10], $0x4000  }
0x1e9: {  	[sflag:s10] =	ssyncset.done $0x0  }
0x1ea: {  	s29 =	rddreg [dreg:$0x11];
	[sflag:s10] =	ssyncadd.s32 $0xFFFFC000  }
0x1eb: {  	[hbm4b:s29+s2] =	stream.linear.scatter [tilespmem:s6], [sflag:$0x4], $0x8000, $0x38;
	[tilespmem:$0x19B00] =	vst v63  }
0x1ec: {  	_ =	swait.ge [sflag:s12], $0x1400  }
0x1ed: {  	[sflag:s12] =	ssyncset.done $0x0  }
0x1ee: {  	s30 =	rddreg [dreg:$0x12];
	[sflag:s12] =	ssyncadd.s32 $0xFFFFEC00  }
0x1ef: {  	[hbm4b:s30+s2] =	stream.linear.scatter [tilespmem:s7], [sflag:$0x5], $0x1400, $0x38;
	[tilespmem:$0x19B00] =	vst v63  }
0x1f0: {  	_ =	swait.ge [sflag:s8], $0x8000  }
0x1f1: {  	[sflag:s8] =	ssyncset.done $0x0  }
0x1f2: {  	[sflag:s8] =	ssyncadd.s32 $0xFFFF8000  }
0x1f3: {  	_ =	swait.ge [sflag:s9], $0x1400  }
0x1f4: {  	[sflag:s9] =	ssyncset.done $0x0  }
0x1f5: {  	[sflag:s9] =	ssyncadd.s32 $0xFFFFEC00  }
0x1f6: {  	_ =	swait.ge [sflag:s11], $0x8000  }
0x1f7: {  	[sflag:s11] =	ssyncset.done $0x0  }
0x1f8: {  	[sflag:s11] =	ssyncadd.s32 $0xFFFF8000  }
0x1f9: {  	_ =	swait.ge [sflag:s4], $0x1000  }
0x1fa: {  	[sflag:s4] =	ssyncset.done $0x0  }
0x1fb: {  	s31 =	rddreg [dreg:$0x13];
	[sflag:s4] =	ssyncadd.s32 $0xFFFFF000  }
0x1fc: {  	[hbm4b:s31+s2] =	stream.linear.scatter [tilespmem:s5], [sflag:$0x7], $0x1000, $0x38;
	[tilespmem:$0x19B00] =	vst v63  }
0x1fd: {  	_ =	swait.ge [sflag:s4], $0x1000  }
0x1fe: {  	[sflag:s4] =	ssyncset.done $0x0  }
0x1ff: {  	[sflag:s4] =	ssyncadd.s32 $0xFFFFF000  }
0x200: {  	_ =	sfence.sel $0x180000  }
0x201: {  	[bflag:$0x0] =	sbarrier.arrive $0xFFFF  }
0x202: {  	p0 =	sne.s32 s19, $0x0;
	_ =	strace $0x90000047  }
0x203: {  	s0 =	sadd.s32 @!p0 $0x100000, s21;
	[bflag:$0x2] =	sbarrier.arrive $0xFFFF  }
0x204: {  	[sflag:s0] =	ssyncadd.tile.s32 @!p0 $0x1;
	_ =	shalt  }
.LBB2_2:
.Ltmp3:
0x205: {  	(pc) =	sbr.rel .LBB2_5-.Ltmp3, $2  }
0x206: {  	_ =	sdelay $0x2  }
0x207: {  	s19 =	stileid.u32;
	s21 =	rddreg [dreg:$0x4]  }
.Lfunc_end2:
_tile_overlayer_lowered:
.L_overlay_start_2:
0x208: {  	(tag) =	ssettag $0x2  }
0x209: {  	s0 =	rddreg [dreg:$0x0];
	s2 =	stileid.u32  }
0x20a: {  	s1 =	rddreg [dreg:$0x1];
	p0 =	sne.s32 s2, $0x0  }
0x20b: {  	s3 =	rddreg [dreg:$0x2];
	[bflag:$0x3] =	sbarrier.arrive $0xFFFF;
	s2 =	simm.s32 @!p0 $0x1C09  }
0x20c: {  	[timem:s3], [sflag:s2] =	dma.local @!p0 [hbm:s0], s1  }
0x20d: {  	s0 =	simm.s32 @!p0 $0x9  }
0x20e: {  	_ =	swait.ge @!p0 [sflag:s0], s1  }
0x20f: {  	s1 =	ssub.s32 @!p0 $0x0, s1;
	[sflag:s0] =	ssyncset.done @!p0 $0x0  }
0x210: {  	[sflag:s0] =	ssyncadd.s32 @!p0 s1  }
0x211: {  	[bflag:$0x3] =	sbarrier.arrive $0xFFFF  }
0x212: {  	_ =	shalt  }

</sc_bundles>
